<compile_context>
chip_gen: v7x
topology: tpu7x:2x2x1
jax: 0.10.2.dev20260603
libtpu: 0.0.44.dev20260713+nightly
codegen_flags: <defaults>
</compile_context>

<pallas_src>
import jax
import jax.numpy as jnp
from jax import lax
from jax.experimental import pallas as pl
from jax.experimental.pallas import tpu as pltpu
from jax.experimental.pallas import tpu_sc as plsc

_B, _L = 1024, 50
_V, _De, _H, _P = 100000, 128, 1024, 512
_N = _B * _L
_L0 = 8
_L1 = _L - _L0
_TBL = 2
_BT = _TBL * _B

_NC, _NS = 2, 16
_NW = _NC * _NS


def _sc_gather_body(n_rows, ids_hbm, table_hbm, out_hbm, idx_v, rows_v, sem):
    rows_per_w = n_rows // _NW
    n_chunks = -(-rows_per_w // 800)
    chunk = rows_per_w // n_chunks
    wid = lax.axis_index("s") * _NC + lax.axis_index("c")
    base = wid * rows_per_w
    for c in range(n_chunks):
        off = base + c * chunk
        pltpu.sync_copy(ids_hbm.at[pl.ds(off, chunk)], idx_v)
        pltpu.async_copy(table_hbm.at[idx_v], rows_v, sem).wait()
        pltpu.sync_copy(rows_v, out_hbm.at[pl.ds(off, chunk)])


def _sc_gather(ids_chunk, table, n_rows):
    mesh = plsc.VectorSubcoreMesh(core_axis_name="c", subcore_axis_name="s")
    rows_per_w = n_rows // _NW
    chunk = rows_per_w // (-(-rows_per_w // 800))
    return pl.kernel(
        lambda *a: _sc_gather_body(n_rows, *a),
        out_type=jax.ShapeDtypeStruct((n_rows, _De), jnp.float32),
        mesh=mesh,
        scratch_types=[
            pltpu.VMEM((chunk,), jnp.int32),
            pltpu.VMEM((chunk, _De), jnp.float32),
            pltpu.SemaphoreType.DMA,
        ],
    )(ids_chunk, table)


def _tc_body(pos_ref, tt_ref, e_ref, w_ref, pt_ref, ty_ref, g_ref, b_ref,
             o_ref):
    for j in range(_TBL):
        proj = jnp.dot(e_ref[pl.ds(j * _B, _B), :].astype(jnp.bfloat16),
                       w_ref[...], preferred_element_type=jnp.float32)
        pos = pos_ref[j, 0, :]
        oh = (lax.broadcasted_iota(jnp.int32, (_B, _P), 1) == pos[:, None])
        p = jnp.dot(oh.astype(jnp.bfloat16), pt_ref[...],
                    preferred_element_type=jnp.float32)
        tt = tt_ref[j, 0, :].astype(jnp.float32)[:, None]
        t = ty_ref[0:1, :] + tt * (ty_ref[1:2, :] - ty_ref[0:1, :])
        x = proj + p + t
        mu = jnp.mean(x, axis=-1, keepdims=True)
        xc = x - mu
        var = jnp.mean(xc * xc, axis=-1, keepdims=True)
        xn = xc * lax.rsqrt(var + 1e-12)
        o_ref[pl.ds(j, 1)] = (xn * g_ref[...] + b_ref[...]).reshape(1, _B, _H)


def _tc_body_alias(prev_ref, pos_ref, tt_ref, e_ref, w_ref, pt_ref, ty_ref,
                   g_ref, b_ref, o_ref):
    del prev_ref
    _tc_body(pos_ref, tt_ref, e_ref, w_ref, pt_ref, ty_ref, g_ref, b_ref,
             o_ref)


_DATA_SPECS = [
    pl.BlockSpec((_TBL, 1, _B), lambda i: (i, 0, 0)),
    pl.BlockSpec((_TBL, 1, _B), lambda i: (i, 0, 0)),
    pl.BlockSpec((_BT, _De), lambda i: (i, 0)),
    pl.BlockSpec((_De, _H), lambda i: (0, 0)),
    pl.BlockSpec((_P, _H), lambda i: (0, 0)),
    pl.BlockSpec((2, _H), lambda i: (0, 0)),
    pl.BlockSpec((1, _H), lambda i: (0, 0)),
    pl.BlockSpec((1, _H), lambda i: (0, 0)),
]


def _tc_chunk0(pos_blocks, tt_blocks, e_rows, *tables):
    return pl.pallas_call(
        _tc_body,
        grid=(_L0 // _TBL,),
        in_specs=_DATA_SPECS,
        out_specs=pl.BlockSpec((_TBL, _B, _H), lambda i: (i, 0, 0)),
        out_shape=jax.ShapeDtypeStruct((_L, _B, _H), jnp.float32),
    )(pos_blocks, tt_blocks, e_rows, *tables)


def _tc_chunk1(prev, pos_blocks, tt_blocks, e_rows, *tables):
    return pl.pallas_call(
        _tc_body_alias,
        grid=(_L1 // _TBL,),
        in_specs=[pl.BlockSpec(memory_space=pl.ANY)] + _DATA_SPECS,
        out_specs=pl.BlockSpec((_TBL, _B, _H), lambda i: (i + _L0 // _TBL, 0, 0)),
        out_shape=jax.ShapeDtypeStruct((_L, _B, _H), jnp.float32),
        input_output_aliases={0: 0},
    )(prev, pos_blocks, tt_blocks, e_rows, *tables)


def kernel(entity_ids, position_ids, token_type_ids, entity_table, dense_w,
           position_table, type_table, ln_gamma, ln_beta):
    n0 = _L0 * _B
    ids_lb = entity_ids.T.reshape(_N)
    e0 = _sc_gather(ids_lb[:n0], entity_table, n0)
    e1 = _sc_gather(ids_lb[n0:], entity_table, _N - n0)
    pos_lb = position_ids.T.reshape(_L, 1, _B)
    tt_lb = token_type_ids.T.reshape(_L, 1, _B)

    tables = (dense_w.astype(jnp.bfloat16), position_table.astype(jnp.bfloat16),
              type_table, ln_gamma.reshape(1, _H), ln_beta.reshape(1, _H))
    chunk0 = _tc_chunk0(pos_lb[:_L0], tt_lb[:_L0], e0, *tables)
    out_lb = _tc_chunk1(chunk0, pos_lb[_L0:], tt_lb[_L0:], e1, *tables)
    return jnp.transpose(out_lb, (1, 0, 2))

# --- scband reference (transcript-rebuilt; emitter-appended) ---
"""Pipeline reference for scband-entity-embeddings-13589276524957 (READ-ONLY COPY).

The authoritative reference and input builder live on the scoring server;
editing this copy changes nothing except your own understanding.
"""

import jax, jax.numpy as jnp
import numpy as np

B, L = 1024, 50
V, De, H, P, T = 100000, 128, 1024, 512, 2

def setup_inputs(seed: int = 0) -> dict:
    key = jax.random.key(seed)
    ks = jax.random.split(key, 8)
    entity_ids = jax.random.randint(ks[0], (B, L), 0, V)
    position_ids = jax.random.randint(ks[1], (B, L), 0, P)
    token_type_ids = jax.random.randint(ks[2], (B, L), 0, T)
    entity_table = jax.random.normal(ks[3], (V, De), dtype=jnp.float32) * 0.02
    dense_w = jax.random.normal(ks[4], (De, H), dtype=jnp.float32) * 0.02
    position_table = jax.random.normal(ks[5], (P, H), dtype=jnp.float32) * 0.02
    type_table = jax.random.normal(ks[6], (T, H), dtype=jnp.float32) * 0.02
    ln_gamma = jnp.ones((H,), dtype=jnp.float32)
    ln_beta = jnp.zeros((H,), dtype=jnp.float32)
    return {
        'entity_ids': entity_ids,
        'position_ids': position_ids,
        'token_type_ids': token_type_ids,
        'entity_table': entity_table,
        'dense_w': dense_w,
        'position_table': position_table,
        'type_table': type_table,
        'ln_gamma': ln_gamma,
        'ln_beta': ln_beta,
    }

def reference(entity_ids, position_ids, token_type_ids, entity_table, dense_w, position_table, type_table, ln_gamma, ln_beta):
    # entity embedding lookup (SparseCore gather)
    e = jnp.take(entity_table, entity_ids, axis=0)            # [B, L, De]
    # entity_emb_size != hidden_size -> project with bias-free dense
    e = e @ dense_w                                           # [B, L, H]
    p = jnp.take(position_table, position_ids, axis=0)        # [B, L, H]
    t = jnp.take(type_table, token_type_ids, axis=0)          # [B, L, H]
    x = e + p + t
    # LayerNorm with eps=1e-12 (elementwise affine)
    mu = jnp.mean(x, axis=-1, keepdims=True)
    var = jnp.mean(jnp.square(x - mu), axis=-1, keepdims=True)
    xn = (x - mu) / jnp.sqrt(var + 1e-12)
    out = xn * ln_gamma + ln_beta
    # dropout p=0.0 -> identity in eval/reference
    return out

if __name__ == "__main__":
    import jax
    _d = setup_inputs()
    print(jax.jit(kernel)(*tuple(_d.values())))

</pallas_src>

<mosaic_0001>
#map = affine_map<(d0, d1) -> (0)>
#map1 = affine_map<(d0, d1) -> (0, 0)>
module attributes {stable_mosaic.version = 14 : i64} {
  func.func @_lambda_(%arg0: i32, %arg1: i32, %arg2: memref<43008xi32, #tpu.memory_space<hbm>>, %arg3: memref<100000x128xf32, #tpu.memory_space<hbm>>, %arg4: memref<43008x128xf32, #tpu.memory_space<hbm>>, %arg5: memref<672xi32, #tpu.memory_space<vmem>>, %arg6: memref<672x128xf32, #tpu.memory_space<vmem>>, %arg7: memref<!tpu.dma_semaphore, #tpu.memory_space<semaphore_mem>>) attributes {dimension_semantics = [#tpu.dimension_semantics<core_parallel>, #tpu.dimension_semantics<subcore_parallel>], iteration_bounds = array<i64: 2, 16>, scalar_prefetch = 0 : i64, scratch_operands = 3 : i64, tpu.core_type = #tpu.core_type<sc_vector_subcore>, window_params = [{transform_indices = #map}, {transform_indices = #map1}, {transform_indices = #map1}]} {
    %mul3A = arith.constant 2 : i32
    %mul3A_0 = arith.muli %arg1, %mul3A : i32
    %add3A = arith.addi %mul3A_0, %arg0 : i32
    %mul3A_1 = arith.constant 1344 : i32
    %mul3A_2 = arith.muli %add3A, %mul3A_1 : i32
    %add3A_3 = arith.constant 0 : i32
    %add3A_4 = arith.addi %mul3A_2, %add3A_3 : i32
    "tpu.region"() ({
      %run_scoped3A = tpu.sem_alloc : memref<!tpu.dma_semaphore, #tpu.memory_space<semaphore_mem>>
      %dma_start3A_17 = tpu.memref_slice %arg2[%add3A_4] : memref<43008xi32, #tpu.memory_space<hbm>> -> memref<672xi32, #tpu.memory_space<hbm>>
      %dma_start3A_18 = tpu.memref_slice %arg2[%add3A_4] : memref<43008xi32, #tpu.memory_space<hbm>> -> memref<672xi32, #tpu.memory_space<hbm>>
      tpu.enqueue_dma source(%dma_start3A_18 : memref<672xi32, #tpu.memory_space<hbm>>) target(%arg5 : memref<672xi32, #tpu.memory_space<vmem>>) target_semaphore(%run_scoped3A : memref<!tpu.dma_semaphore, #tpu.memory_space<semaphore_mem>>)
      %dma_wait3A_19 = tpu.memref_slice %arg2[%add3A_4] : memref<43008xi32, #tpu.memory_space<hbm>> -> memref<672xi32, #tpu.memory_space<hbm>>
      %dma_wait3A_20 = tpu.memref_slice %arg2[%add3A_4] : memref<43008xi32, #tpu.memory_space<hbm>> -> memref<672xi32, #tpu.memory_space<hbm>>
      tpu.wait_dma2 semaphore(%run_scoped3A : memref<!tpu.dma_semaphore, #tpu.memory_space<semaphore_mem>>) src(%dma_wait3A_20 : memref<672xi32, #tpu.memory_space<hbm>>) dst(%arg5 : memref<672xi32, #tpu.memory_space<vmem>>)
      tpu.yield
    }) : () -> ()
    %dma_start3A = arith.constant 0 : i32
    %dma_start3A_5 = arith.constant 0 : i32
    %dma_start3A_6 = tpu.memref_slice %arg3[%dma_start3A, %dma_start3A_5] : memref<100000x128xf32, #tpu.memory_space<hbm>> -> memref<100000x128xf32, #tpu.memory_space<hbm>>
    tpu.enqueue_indirect_dma source(%dma_start3A_6 : memref<100000x128xf32, #tpu.memory_space<hbm>>) target(%arg6 : memref<672x128xf32, #tpu.memory_space<vmem>>) offsets(%arg5 : memref<672xi32, #tpu.memory_space<vmem>>) semaphore(%arg7 : memref<!tpu.dma_semaphore, #tpu.memory_space<semaphore_mem>>)
    %dma_wait3A = arith.constant 0 : i32
    %dma_wait3A_7 = arith.constant 0 : i32
    %dma_wait3A_8 = tpu.memref_slice %arg3[%dma_wait3A, %dma_wait3A_7] : memref<100000x128xf32, #tpu.memory_space<hbm>> -> memref<100000x128xf32, #tpu.memory_space<hbm>>
    tpu.wait_indirect_dma semaphore(%arg7 : memref<!tpu.dma_semaphore, #tpu.memory_space<semaphore_mem>>) src(%dma_wait3A_8 : memref<100000x128xf32, #tpu.memory_space<hbm>>) dst(%arg6 : memref<672x128xf32, #tpu.memory_space<vmem>>)
    "tpu.region"() ({
      %run_scoped3A = tpu.sem_alloc : memref<!tpu.dma_semaphore, #tpu.memory_space<semaphore_mem>>
      %dma_start3A_17 = arith.constant 0 : i32
      %dma_start3A_18 = tpu.memref_slice %arg4[%add3A_4, %dma_start3A_17] : memref<43008x128xf32, #tpu.memory_space<hbm>> -> memref<672x128xf32, #tpu.memory_space<hbm>>
      %dma_start3A_19 = arith.constant 0 : i32
      %dma_start3A_20 = tpu.memref_slice %arg4[%add3A_4, %dma_start3A_19] : memref<43008x128xf32, #tpu.memory_space<hbm>> -> memref<672x128xf32, #tpu.memory_space<hbm>>
      tpu.enqueue_dma source(%arg6 : memref<672x128xf32, #tpu.memory_space<vmem>>) target(%dma_start3A_20 : memref<672x128xf32, #tpu.memory_space<hbm>>) target_semaphore(%run_scoped3A : memref<!tpu.dma_semaphore, #tpu.memory_space<semaphore_mem>>)
      %dma_wait3A_21 = arith.constant 0 : i32
      %dma_wait3A_22 = tpu.memref_slice %arg4[%add3A_4, %dma_wait3A_21] : memref<43008x128xf32, #tpu.memory_space<hbm>> -> memref<672x128xf32, #tpu.memory_space<hbm>>
      %dma_wait3A_23 = arith.constant 0 : i32
      %dma_wait3A_24 = tpu.memref_slice %arg4[%add3A_4, %dma_wait3A_23] : memref<43008x128xf32, #tpu.memory_space<hbm>> -> memref<672x128xf32, #tpu.memory_space<hbm>>
      tpu.wait_dma2 semaphore(%run_scoped3A : memref<!tpu.dma_semaphore, #tpu.memory_space<semaphore_mem>>) src(%arg6 : memref<672x128xf32, #tpu.memory_space<vmem>>) dst(%dma_wait3A_24 : memref<672x128xf32, #tpu.memory_space<hbm>>)
      tpu.yield
    }) : () -> ()
    %add3A_9 = arith.constant 672 : i32
    %add3A_10 = arith.addi %mul3A_2, %add3A_9 : i32
    "tpu.region"() ({
      %run_scoped3A = tpu.sem_alloc : memref<!tpu.dma_semaphore, #tpu.memory_space<semaphore_mem>>
      %dma_start3A_17 = tpu.memref_slice %arg2[%add3A_10] : memref<43008xi32, #tpu.memory_space<hbm>> -> memref<672xi32, #tpu.memory_space<hbm>>
      %dma_start3A_18 = tpu.memref_slice %arg2[%add3A_10] : memref<43008xi32, #tpu.memory_space<hbm>> -> memref<672xi32, #tpu.memory_space<hbm>>
      tpu.enqueue_dma source(%dma_start3A_18 : memref<672xi32, #tpu.memory_space<hbm>>) target(%arg5 : memref<672xi32, #tpu.memory_space<vmem>>) target_semaphore(%run_scoped3A : memref<!tpu.dma_semaphore, #tpu.memory_space<semaphore_mem>>)
      %dma_wait3A_19 = tpu.memref_slice %arg2[%add3A_10] : memref<43008xi32, #tpu.memory_space<hbm>> -> memref<672xi32, #tpu.memory_space<hbm>>
      %dma_wait3A_20 = tpu.memref_slice %arg2[%add3A_10] : memref<43008xi32, #tpu.memory_space<hbm>> -> memref<672xi32, #tpu.memory_space<hbm>>
      tpu.wait_dma2 semaphore(%run_scoped3A : memref<!tpu.dma_semaphore, #tpu.memory_space<semaphore_mem>>) src(%dma_wait3A_20 : memref<672xi32, #tpu.memory_space<hbm>>) dst(%arg5 : memref<672xi32, #tpu.memory_space<vmem>>)
      tpu.yield
    }) : () -> ()
    %dma_start3A_11 = arith.constant 0 : i32
    %dma_start3A_12 = arith.constant 0 : i32
    %dma_start3A_13 = tpu.memref_slice %arg3[%dma_start3A_11, %dma_start3A_12] : memref<100000x128xf32, #tpu.memory_space<hbm>> -> memref<100000x128xf32, #tpu.memory_space<hbm>>
    tpu.enqueue_indirect_dma source(%dma_start3A_13 : memref<100000x128xf32, #tpu.memory_space<hbm>>) target(%arg6 : memref<672x128xf32, #tpu.memory_space<vmem>>) offsets(%arg5 : memref<672xi32, #tpu.memory_space<vmem>>) semaphore(%arg7 : memref<!tpu.dma_semaphore, #tpu.memory_space<semaphore_mem>>)
    %dma_wait3A_14 = arith.constant 0 : i32
    %dma_wait3A_15 = arith.constant 0 : i32
    %dma_wait3A_16 = tpu.memref_slice %arg3[%dma_wait3A_14, %dma_wait3A_15] : memref<100000x128xf32, #tpu.memory_space<hbm>> -> memref<100000x128xf32, #tpu.memory_space<hbm>>
    tpu.wait_indirect_dma semaphore(%arg7 : memref<!tpu.dma_semaphore, #tpu.memory_space<semaphore_mem>>) src(%dma_wait3A_16 : memref<100000x128xf32, #tpu.memory_space<hbm>>) dst(%arg6 : memref<672x128xf32, #tpu.memory_space<vmem>>)
    "tpu.region"() ({
      %run_scoped3A = tpu.sem_alloc : memref<!tpu.dma_semaphore, #tpu.memory_space<semaphore_mem>>
      %dma_start3A_17 = arith.constant 0 : i32
      %dma_start3A_18 = tpu.memref_slice %arg4[%add3A_10, %dma_start3A_17] : memref<43008x128xf32, #tpu.memory_space<hbm>> -> memref<672x128xf32, #tpu.memory_space<hbm>>
      %dma_start3A_19 = arith.constant 0 : i32
      %dma_start3A_20 = tpu.memref_slice %arg4[%add3A_10, %dma_start3A_19] : memref<43008x128xf32, #tpu.memory_space<hbm>> -> memref<672x128xf32, #tpu.memory_space<hbm>>
      tpu.enqueue_dma source(%arg6 : memref<672x128xf32, #tpu.memory_space<vmem>>) target(%dma_start3A_20 : memref<672x128xf32, #tpu.memory_space<hbm>>) target_semaphore(%run_scoped3A : memref<!tpu.dma_semaphore, #tpu.memory_space<semaphore_mem>>)
      %dma_wait3A_21 = arith.constant 0 : i32
      %dma_wait3A_22 = tpu.memref_slice %arg4[%add3A_10, %dma_wait3A_21] : memref<43008x128xf32, #tpu.memory_space<hbm>> -> memref<672x128xf32, #tpu.memory_space<hbm>>
      %dma_wait3A_23 = arith.constant 0 : i32
      %dma_wait3A_24 = tpu.memref_slice %arg4[%add3A_10, %dma_wait3A_23] : memref<43008x128xf32, #tpu.memory_space<hbm>> -> memref<672x128xf32, #tpu.memory_space<hbm>>
      tpu.wait_dma2 semaphore(%run_scoped3A : memref<!tpu.dma_semaphore, #tpu.memory_space<semaphore_mem>>) src(%arg6 : memref<672x128xf32, #tpu.memory_space<vmem>>) dst(%dma_wait3A_24 : memref<672x128xf32, #tpu.memory_space<hbm>>)
      tpu.yield
    }) : () -> ()
    return
  }
}

#map = affine_map<(d0, d1) -> (0)>
#map1 = affine_map<(d0, d1) -> (0, 0)>
module attributes {stable_mosaic.version = 14 : i64} {
  func.func @_lambda_(%arg0: i32, %arg1: i32, %arg2: memref<8192xi32, #tpu.memory_space<hbm>>, %arg3: memref<100000x128xf32, #tpu.memory_space<hbm>>, %arg4: memref<8192x128xf32, #tpu.memory_space<hbm>>, %arg5: memref<256xi32, #tpu.memory_space<vmem>>, %arg6: memref<256x128xf32, #tpu.memory_space<vmem>>, %arg7: memref<!tpu.dma_semaphore, #tpu.memory_space<semaphore_mem>>) attributes {dimension_semantics = [#tpu.dimension_semantics<core_parallel>, #tpu.dimension_semantics<subcore_parallel>], iteration_bounds = array<i64: 2, 16>, scalar_prefetch = 0 : i64, scratch_operands = 3 : i64, tpu.core_type = #tpu.core_type<sc_vector_subcore>, window_params = [{transform_indices = #map}, {transform_indices = #map1}, {transform_indices = #map1}]} {
    %mul3A = arith.constant 2 : i32
    %mul3A_0 = arith.muli %arg1, %mul3A : i32
    %add3A = arith.addi %mul3A_0, %arg0 : i32
    %mul3A_1 = arith.constant 256 : i32
    %mul3A_2 = arith.muli %add3A, %mul3A_1 : i32
    %add3A_3 = arith.constant 0 : i32
    %add3A_4 = arith.addi %mul3A_2, %add3A_3 : i32
    "tpu.region"() ({
      %run_scoped3A = tpu.sem_alloc : memref<!tpu.dma_semaphore, #tpu.memory_space<semaphore_mem>>
      %dma_start3A_9 = tpu.memref_slice %arg2[%add3A_4] : memref<8192xi32, #tpu.memory_space<hbm>> -> memref<256xi32, #tpu.memory_space<hbm>>
      %dma_start3A_10 = tpu.memref_slice %arg2[%add3A_4] : memref<8192xi32, #tpu.memory_space<hbm>> -> memref<256xi32, #tpu.memory_space<hbm>>
      tpu.enqueue_dma source(%dma_start3A_10 : memref<256xi32, #tpu.memory_space<hbm>>) target(%arg5 : memref<256xi32, #tpu.memory_space<vmem>>) target_semaphore(%run_scoped3A : memref<!tpu.dma_semaphore, #tpu.memory_space<semaphore_mem>>)
      %dma_wait3A_11 = tpu.memref_slice %arg2[%add3A_4] : memref<8192xi32, #tpu.memory_space<hbm>> -> memref<256xi32, #tpu.memory_space<hbm>>
      %dma_wait3A_12 = tpu.memref_slice %arg2[%add3A_4] : memref<8192xi32, #tpu.memory_space<hbm>> -> memref<256xi32, #tpu.memory_space<hbm>>
      tpu.wait_dma2 semaphore(%run_scoped3A : memref<!tpu.dma_semaphore, #tpu.memory_space<semaphore_mem>>) src(%dma_wait3A_12 : memref<256xi32, #tpu.memory_space<hbm>>) dst(%arg5 : memref<256xi32, #tpu.memory_space<vmem>>)
      tpu.yield
    }) : () -> ()
    %dma_start3A = arith.constant 0 : i32
    %dma_start3A_5 = arith.constant 0 : i32
    %dma_start3A_6 = tpu.memref_slice %arg3[%dma_start3A, %dma_start3A_5] : memref<100000x128xf32, #tpu.memory_space<hbm>> -> memref<100000x128xf32, #tpu.memory_space<hbm>>
    tpu.enqueue_indirect_dma source(%dma_start3A_6 : memref<100000x128xf32, #tpu.memory_space<hbm>>) target(%arg6 : memref<256x128xf32, #tpu.memory_space<vmem>>) offsets(%arg5 : memref<256xi32, #tpu.memory_space<vmem>>) semaphore(%arg7 : memref<!tpu.dma_semaphore, #tpu.memory_space<semaphore_mem>>)
    %dma_wait3A = arith.constant 0 : i32
    %dma_wait3A_7 = arith.constant 0 : i32
    %dma_wait3A_8 = tpu.memref_slice %arg3[%dma_wait3A, %dma_wait3A_7] : memref<100000x128xf32, #tpu.memory_space<hbm>> -> memref<100000x128xf32, #tpu.memory_space<hbm>>
    tpu.wait_indirect_dma semaphore(%arg7 : memref<!tpu.dma_semaphore, #tpu.memory_space<semaphore_mem>>) src(%dma_wait3A_8 : memref<100000x128xf32, #tpu.memory_space<hbm>>) dst(%arg6 : memref<256x128xf32, #tpu.memory_space<vmem>>)
    "tpu.region"() ({
      %run_scoped3A = tpu.sem_alloc : memref<!tpu.dma_semaphore, #tpu.memory_space<semaphore_mem>>
      %dma_start3A_9 = arith.constant 0 : i32
      %dma_start3A_10 = tpu.memref_slice %arg4[%add3A_4, %dma_start3A_9] : memref<8192x128xf32, #tpu.memory_space<hbm>> -> memref<256x128xf32, #tpu.memory_space<hbm>>
      %dma_start3A_11 = arith.constant 0 : i32
      %dma_start3A_12 = tpu.memref_slice %arg4[%add3A_4, %dma_start3A_11] : memref<8192x128xf32, #tpu.memory_space<hbm>> -> memref<256x128xf32, #tpu.memory_space<hbm>>
      tpu.enqueue_dma source(%arg6 : memref<256x128xf32, #tpu.memory_space<vmem>>) target(%dma_start3A_12 : memref<256x128xf32, #tpu.memory_space<hbm>>) target_semaphore(%run_scoped3A : memref<!tpu.dma_semaphore, #tpu.memory_space<semaphore_mem>>)
      %dma_wait3A_13 = arith.constant 0 : i32
      %dma_wait3A_14 = tpu.memref_slice %arg4[%add3A_4, %dma_wait3A_13] : memref<8192x128xf32, #tpu.memory_space<hbm>> -> memref<256x128xf32, #tpu.memory_space<hbm>>
      %dma_wait3A_15 = arith.constant 0 : i32
      %dma_wait3A_16 = tpu.memref_slice %arg4[%add3A_4, %dma_wait3A_15] : memref<8192x128xf32, #tpu.memory_space<hbm>> -> memref<256x128xf32, #tpu.memory_space<hbm>>
      tpu.wait_dma2 semaphore(%run_scoped3A : memref<!tpu.dma_semaphore, #tpu.memory_space<semaphore_mem>>) src(%arg6 : memref<256x128xf32, #tpu.memory_space<vmem>>) dst(%dma_wait3A_16 : memref<256x128xf32, #tpu.memory_space<hbm>>)
      tpu.yield
    }) : () -> ()
    return
  }
}

module attributes {stable_mosaic.version = 14 : i64} {
  func.func @_tc_body(%arg0: i32, %arg1: memref<2x1x1024xi32, #tpu.memory_space<vmem>>, %arg2: memref<2x1x1024xi32, #tpu.memory_space<vmem>>, %arg3: memref<2048x128xf32, #tpu.memory_space<vmem>>, %arg4: memref<128x1024xbf16, #tpu.memory_space<vmem>>, %arg5: memref<512x1024xbf16, #tpu.memory_space<vmem>>, %arg6: memref<2x1024xf32, #tpu.memory_space<vmem>>, %arg7: memref<1x1024xf32, #tpu.memory_space<vmem>>, %arg8: memref<1x1024xf32, #tpu.memory_space<vmem>>, %arg9: memref<2x1024x1024xf32, #tpu.memory_space<vmem>>) attributes {dimension_semantics = [#tpu.dimension_semantics<arbitrary>], iteration_bounds = array<i64: 4>, scalar_prefetch = 0 : i64, scratch_operands = 0 : i64, tpu.core_type = #tpu.core_type<tc>, window_params = [{transform_indices = @transform_0, window_bounds = array<i64: 2, 1, 1024>}, {transform_indices = @transform_1, window_bounds = array<i64: 2, 1, 1024>}, {transform_indices = @transform_2, window_bounds = array<i64: 2048, 128>}, {pipeline_mode = #tpu.pipeline_mode<synchronous>, transform_indices = @transform_3, window_bounds = array<i64: 128, 1024>}, {pipeline_mode = #tpu.pipeline_mode<synchronous>, transform_indices = @transform_4, window_bounds = array<i64: 512, 1024>}, {pipeline_mode = #tpu.pipeline_mode<synchronous>, transform_indices = @transform_5, window_bounds = array<i64: 2, 1024>}, {pipeline_mode = #tpu.pipeline_mode<synchronous>, transform_indices = @transform_6, window_bounds = array<i64: 1, 1024>}, {pipeline_mode = #tpu.pipeline_mode<synchronous>, transform_indices = @transform_7, window_bounds = array<i64: 1, 1024>}, {transform_indices = @transform_8, window_bounds = array<i64: 2, 1024, 1024>}]} {
    %get3A = arith.constant 0 : index
    %get3A_0 = arith.constant 0 : index
    %get3A_1 = vector.load %arg3[%get3A, %get3A_0] : memref<2048x128xf32, #tpu.memory_space<vmem>>, vector<1024x128xf32>
    %convert_element_type3A = arith.truncf %get3A_1 : vector<1024x128xf32> to vector<1024x128xbf16>
    %get3A_2 = arith.constant 0 : index
    %get3A_3 = arith.constant 0 : index
    %get3A_4 = vector.load %arg4[%get3A_2, %get3A_3] : memref<128x1024xbf16, #tpu.memory_space<vmem>>, vector<128x1024xbf16>
    %dot_general3A = arith.constant dense<0.000000e+00> : vector<1024x1024xf32>
    %dot_general3A_5 = tpu.matmul %convert_element_type3A, %get3A_4, %dot_general3A {dimension_numbers = #tpu.dot_dimension_numbers<[1], [0], [0], [1], [0, 0, 1, 1], [], []>, transpose_lhs_hint = false} : vector<1024x128xbf16>, vector<128x1024xbf16>, vector<1024x1024xf32> -> vector<1024x1024xf32>
    %get3A_6 = arith.constant 0 : index
    %get3A_7 = arith.constant 0 : index
    %get3A_8 = arith.constant 0 : index
    %get3A_9 = vector.load %arg1[%get3A_6, %get3A_7, %get3A_8] : memref<2x1x1024xi32, #tpu.memory_space<vmem>>, vector<1x1x1024xi32>
    %get3A_10 = vector.shape_cast %get3A_9 : vector<1x1x1024xi32> to vector<1024xi32>
    %iota3A = tpu.iota {dimensions = array<i32: 1>} : vector<1024x512xi32>
    %broadcast_in_dim3A = vector.shape_cast %get3A_10 : vector<1024xi32> to vector<1024x1xi32>
    %eq3A = vector.broadcast %broadcast_in_dim3A : vector<1024x1xi32> to vector<1024x512xi32>
    %eq3A_11 = arith.cmpi eq, %iota3A, %eq3A : vector<1024x512xi32>
    %convert_element_type3A_12 = arith.extui %eq3A_11 : vector<1024x512xi1> to vector<1024x512xi32>
    %convert_element_type3A_13 = arith.sitofp %convert_element_type3A_12 : vector<1024x512xi32> to vector<1024x512xf32>
    %convert_element_type3A_14 = arith.truncf %convert_element_type3A_13 : vector<1024x512xf32> to vector<1024x512xbf16>
    %get3A_15 = arith.constant 0 : index
    %get3A_16 = arith.constant 0 : index
    %get3A_17 = vector.load %arg5[%get3A_15, %get3A_16] : memref<512x1024xbf16, #tpu.memory_space<vmem>>, vector<512x1024xbf16>
    %dot_general3A_18 = arith.constant dense<0.000000e+00> : vector<1024x1024xf32>
    %dot_general3A_19 = tpu.matmul %convert_element_type3A_14, %get3A_17, %dot_general3A_18 {dimension_numbers = #tpu.dot_dimension_numbers<[1], [0], [0], [1], [0, 0, 1, 1], [], []>, transpose_lhs_hint = false} : vector<1024x512xbf16>, vector<512x1024xbf16>, vector<1024x1024xf32> -> vector<1024x1024xf32>
    %get3A_20 = arith.constant 0 : index
    %get3A_21 = arith.constant 0 : index
    %get3A_22 = arith.constant 0 : index
    %get3A_23 = vector.load %arg2[%get3A_20, %get3A_21, %get3A_22] : memref<2x1x1024xi32, #tpu.memory_space<vmem>>, vector<1x1x1024xi32>
    %get3A_24 = vector.shape_cast %get3A_23 : vector<1x1x1024xi32> to vector<1024xi32>
    %convert_element_type3A_25 = arith.sitofp %get3A_24 : vector<1024xi32> to vector<1024xf32>
    %broadcast_in_dim3A_26 = vector.shape_cast %convert_element_type3A_25 : vector<1024xf32> to vector<1024x1xf32>
    %get3A_27 = arith.constant 0 : index
    %get3A_28 = arith.constant 0 : index
    %get3A_29 = vector.load %arg6[%get3A_27, %get3A_28] : memref<2x1024xf32, #tpu.memory_space<vmem>>, vector<1x1024xf32>
    %get3A_30 = arith.constant 1 : index
    %get3A_31 = arith.constant 0 : index
    %get3A_32 = vector.load %arg6[%get3A_30, %get3A_31] : memref<2x1024xf32, #tpu.memory_space<vmem>>, vector<1x1024xf32>
    %get3A_33 = arith.constant 0 : index
    %get3A_34 = arith.constant 0 : index
    %get3A_35 = vector.load %arg6[%get3A_33, %get3A_34] : memref<2x1024xf32, #tpu.memory_space<vmem>>, vector<1x1024xf32>
    %sub3A = arith.subf %get3A_32, %get3A_35 : vector<1x1024xf32>
    %mul3A = vector.broadcast %broadcast_in_dim3A_26 : vector<1024x1xf32> to vector<1024x1024xf32>
    %mul3A_36 = vector.broadcast %sub3A : vector<1x1024xf32> to vector<1024x1024xf32>
    %mul3A_37 = arith.mulf %mul3A, %mul3A_36 : vector<1024x1024xf32>
    %add3A = vector.broadcast %get3A_29 : vector<1x1024xf32> to vector<1024x1024xf32>
    %add3A_38 = arith.addf %add3A, %mul3A_37 : vector<1024x1024xf32>
    %add3A_39 = arith.addf %dot_general3A_5, %dot_general3A_19 : vector<1024x1024xf32>
    %add3A_40 = arith.addf %add3A_39, %add3A_38 : vector<1024x1024xf32>
    %reduce_sum3A = arith.constant dense<0.000000e+00> : vector<1024xf32>
    %reduce_sum3A_41 = vector.multi_reduction <add>, %add3A_40, %reduce_sum3A [1] : vector<1024x1024xf32> to vector<1024xf32>
    %broadcast_in_dim3A_42 = vector.shape_cast %reduce_sum3A_41 : vector<1024xf32> to vector<1024x1xf32>
    %div3A = arith.constant 1.024000e+03 : f32
    %div3A_43 = vector.broadcast %div3A : f32 to vector<1024x1xf32>
    %div3A_44 = arith.divf %broadcast_in_dim3A_42, %div3A_43 : vector<1024x1xf32>
    %sub3A_45 = vector.broadcast %div3A_44 : vector<1024x1xf32> to vector<1024x1024xf32>
    %sub3A_46 = arith.subf %add3A_40, %sub3A_45 : vector<1024x1024xf32>
    %mul3A_47 = arith.mulf %sub3A_46, %sub3A_46 : vector<1024x1024xf32>
    %reduce_sum3A_48 = arith.constant dense<0.000000e+00> : vector<1024xf32>
    %reduce_sum3A_49 = vector.multi_reduction <add>, %mul3A_47, %reduce_sum3A_48 [1] : vector<1024x1024xf32> to vector<1024xf32>
    %broadcast_in_dim3A_50 = vector.shape_cast %reduce_sum3A_49 : vector<1024xf32> to vector<1024x1xf32>
    %div3A_51 = arith.constant 1.024000e+03 : f32
    %div3A_52 = vector.broadcast %div3A_51 : f32 to vector<1024x1xf32>
    %div3A_53 = arith.divf %broadcast_in_dim3A_50, %div3A_52 : vector<1024x1xf32>
    %add3A_54 = arith.constant 9.99999996E-13 : f32
    %add3A_55 = vector.broadcast %add3A_54 : f32 to vector<1024x1xf32>
    %add3A_56 = arith.addf %div3A_53, %add3A_55 : vector<1024x1xf32>
    %rsqrt3A = math.rsqrt %add3A_56 : vector<1024x1xf32>
    %mul3A_57 = vector.broadcast %rsqrt3A : vector<1024x1xf32> to vector<1024x1024xf32>
    %mul3A_58 = arith.mulf %sub3A_46, %mul3A_57 : vector<1024x1024xf32>
    %get3A_59 = arith.constant 0 : index
    %get3A_60 = arith.constant 0 : index
    %get3A_61 = vector.load %arg7[%get3A_59, %get3A_60] : memref<1x1024xf32, #tpu.memory_space<vmem>>, vector<1x1024xf32>
    %mul3A_62 = vector.broadcast %get3A_61 : vector<1x1024xf32> to vector<1024x1024xf32>
    %mul3A_63 = arith.mulf %mul3A_58, %mul3A_62 : vector<1024x1024xf32>
    %get3A_64 = arith.constant 0 : index
    %get3A_65 = arith.constant 0 : index
    %get3A_66 = vector.load %arg8[%get3A_64, %get3A_65] : memref<1x1024xf32, #tpu.memory_space<vmem>>, vector<1x1024xf32>
    %add3A_67 = vector.broadcast %get3A_66 : vector<1x1024xf32> to vector<1024x1024xf32>
    %add3A_68 = arith.addf %mul3A_63, %add3A_67 : vector<1024x1024xf32>
    %reshape3A = vector.shape_cast %add3A_68 : vector<1024x1024xf32> to vector<1x1024x1024xf32>
    %swap3A = arith.constant 0 : index
    %swap3A_69 = arith.constant 0 : index
    %swap3A_70 = arith.constant 0 : index
    %swap3A_71 = vector.load %arg9[%swap3A, %swap3A_69, %swap3A_70] : memref<2x1024x1024xf32, #tpu.memory_space<vmem>>, vector<1x1024x1024xf32>
    tpu.vector_store %arg9[%swap3A, %swap3A_69, %swap3A_70], %reshape3A {strides = array<i32>} : memref<2x1024x1024xf32, #tpu.memory_space<vmem>>, vector<1x1024x1024xf32>,
    %get3A_72 = arith.constant 1024 : index
    %get3A_73 = arith.constant 0 : index
    %get3A_74 = vector.load %arg3[%get3A_72, %get3A_73] : memref<2048x128xf32, #tpu.memory_space<vmem>>, vector<1024x128xf32>
    %convert_element_type3A_75 = arith.truncf %get3A_74 : vector<1024x128xf32> to vector<1024x128xbf16>
    %get3A_76 = arith.constant 0 : index
    %get3A_77 = arith.constant 0 : index
    %get3A_78 = vector.load %arg4[%get3A_76, %get3A_77] : memref<128x1024xbf16, #tpu.memory_space<vmem>>, vector<128x1024xbf16>
    %dot_general3A_79 = arith.constant dense<0.000000e+00> : vector<1024x1024xf32>
    %dot_general3A_80 = tpu.matmul %convert_element_type3A_75, %get3A_78, %dot_general3A_79 {dimension_numbers = #tpu.dot_dimension_numbers<[1], [0], [0], [1], [0, 0, 1, 1], [], []>, transpose_lhs_hint = false} : vector<1024x128xbf16>, vector<128x1024xbf16>, vector<1024x1024xf32> -> vector<1024x1024xf32>
    %get3A_81 = arith.constant 1 : index
    %get3A_82 = arith.constant 0 : index
    %get3A_83 = arith.constant 0 : index
    %get3A_84 = vector.load %arg1[%get3A_81, %get3A_82, %get3A_83] : memref<2x1x1024xi32, #tpu.memory_space<vmem>>, vector<1x1x1024xi32>
    %get3A_85 = vector.shape_cast %get3A_84 : vector<1x1x1024xi32> to vector<1024xi32>
    %iota3A_86 = tpu.iota {dimensions = array<i32: 1>} : vector<1024x512xi32>
    %broadcast_in_dim3A_87 = vector.shape_cast %get3A_85 : vector<1024xi32> to vector<1024x1xi32>
    %eq3A_88 = vector.broadcast %broadcast_in_dim3A_87 : vector<1024x1xi32> to vector<1024x512xi32>
    %eq3A_89 = arith.cmpi eq, %iota3A_86, %eq3A_88 : vector<1024x512xi32>
    %convert_element_type3A_90 = arith.extui %eq3A_89 : vector<1024x512xi1> to vector<1024x512xi32>
    %convert_element_type3A_91 = arith.sitofp %convert_element_type3A_90 : vector<1024x512xi32> to vector<1024x512xf32>
    %convert_element_type3A_92 = arith.truncf %convert_element_type3A_91 : vector<1024x512xf32> to vector<1024x512xbf16>
    %get3A_93 = arith.constant 0 : index
    %get3A_94 = arith.constant 0 : index
    %get3A_95 = vector.load %arg5[%get3A_93, %get3A_94] : memref<512x1024xbf16, #tpu.memory_space<vmem>>, vector<512x1024xbf16>
    %dot_general3A_96 = arith.constant dense<0.000000e+00> : vector<1024x1024xf32>
    %dot_general3A_97 = tpu.matmul %convert_element_type3A_92, %get3A_95, %dot_general3A_96 {dimension_numbers = #tpu.dot_dimension_numbers<[1], [0], [0], [1], [0, 0, 1, 1], [], []>, transpose_lhs_hint = false} : vector<1024x512xbf16>, vector<512x1024xbf16>, vector<1024x1024xf32> -> vector<1024x1024xf32>
    %get3A_98 = arith.constant 1 : index
    %get3A_99 = arith.constant 0 : index
    %get3A_100 = arith.constant 0 : index
    %get3A_101 = vector.load %arg2[%get3A_98, %get3A_99, %get3A_100] : memref<2x1x1024xi32, #tpu.memory_space<vmem>>, vector<1x1x1024xi32>
    %get3A_102 = vector.shape_cast %get3A_101 : vector<1x1x1024xi32> to vector<1024xi32>
    %convert_element_type3A_103 = arith.sitofp %get3A_102 : vector<1024xi32> to vector<1024xf32>
    %broadcast_in_dim3A_104 = vector.shape_cast %convert_element_type3A_103 : vector<1024xf32> to vector<1024x1xf32>
    %get3A_105 = arith.constant 0 : index
    %get3A_106 = arith.constant 0 : index
    %get3A_107 = vector.load %arg6[%get3A_105, %get3A_106] : memref<2x1024xf32, #tpu.memory_space<vmem>>, vector<1x1024xf32>
    %get3A_108 = arith.constant 1 : index
    %get3A_109 = arith.constant 0 : index
    %get3A_110 = vector.load %arg6[%get3A_108, %get3A_109] : memref<2x1024xf32, #tpu.memory_space<vmem>>, vector<1x1024xf32>
    %get3A_111 = arith.constant 0 : index
    %get3A_112 = arith.constant 0 : index
    %get3A_113 = vector.load %arg6[%get3A_111, %get3A_112] : memref<2x1024xf32, #tpu.memory_space<vmem>>, vector<1x1024xf32>
    %sub3A_114 = arith.subf %get3A_110, %get3A_113 : vector<1x1024xf32>
    %mul3A_115 = vector.broadcast %broadcast_in_dim3A_104 : vector<1024x1xf32> to vector<1024x1024xf32>
    %mul3A_116 = vector.broadcast %sub3A_114 : vector<1x1024xf32> to vector<1024x1024xf32>
    %mul3A_117 = arith.mulf %mul3A_115, %mul3A_116 : vector<1024x1024xf32>
    %add3A_118 = vector.broadcast %get3A_107 : vector<1x1024xf32> to vector<1024x1024xf32>
    %add3A_119 = arith.addf %add3A_118, %mul3A_117 : vector<1024x1024xf32>
    %add3A_120 = arith.addf %dot_general3A_80, %dot_general3A_97 : vector<1024x1024xf32>
    %add3A_121 = arith.addf %add3A_120, %add3A_119 : vector<1024x1024xf32>
    %reduce_sum3A_122 = arith.constant dense<0.000000e+00> : vector<1024xf32>
    %reduce_sum3A_123 = vector.multi_reduction <add>, %add3A_121, %reduce_sum3A_122 [1] : vector<1024x1024xf32> to vector<1024xf32>
    %broadcast_in_dim3A_124 = vector.shape_cast %reduce_sum3A_123 : vector<1024xf32> to vector<1024x1xf32>
    %div3A_125 = arith.constant 1.024000e+03 : f32
    %div3A_126 = vector.broadcast %div3A_125 : f32 to vector<1024x1xf32>
    %div3A_127 = arith.divf %broadcast_in_dim3A_124, %div3A_126 : vector<1024x1xf32>
    %sub3A_128 = vector.broadcast %div3A_127 : vector<1024x1xf32> to vector<1024x1024xf32>
    %sub3A_129 = arith.subf %add3A_121, %sub3A_128 : vector<1024x1024xf32>
    %mul3A_130 = arith.mulf %sub3A_129, %sub3A_129 : vector<1024x1024xf32>
    %reduce_sum3A_131 = arith.constant dense<0.000000e+00> : vector<1024xf32>
    %reduce_sum3A_132 = vector.multi_reduction <add>, %mul3A_130, %reduce_sum3A_131 [1] : vector<1024x1024xf32> to vector<1024xf32>
    %broadcast_in_dim3A_133 = vector.shape_cast %reduce_sum3A_132 : vector<1024xf32> to vector<1024x1xf32>
    %div3A_134 = arith.constant 1.024000e+03 : f32
    %div3A_135 = vector.broadcast %div3A_134 : f32 to vector<1024x1xf32>
    %div3A_136 = arith.divf %broadcast_in_dim3A_133, %div3A_135 : vector<1024x1xf32>
    %add3A_137 = arith.constant 9.99999996E-13 : f32
    %add3A_138 = vector.broadcast %add3A_137 : f32 to vector<1024x1xf32>
    %add3A_139 = arith.addf %div3A_136, %add3A_138 : vector<1024x1xf32>
    %rsqrt3A_140 = math.rsqrt %add3A_139 : vector<1024x1xf32>
    %mul3A_141 = vector.broadcast %rsqrt3A_140 : vector<1024x1xf32> to vector<1024x1024xf32>
    %mul3A_142 = arith.mulf %sub3A_129, %mul3A_141 : vector<1024x1024xf32>
    %get3A_143 = arith.constant 0 : index
    %get3A_144 = arith.constant 0 : index
    %get3A_145 = vector.load %arg7[%get3A_143, %get3A_144] : memref<1x1024xf32, #tpu.memory_space<vmem>>, vector<1x1024xf32>
    %mul3A_146 = vector.broadcast %get3A_145 : vector<1x1024xf32> to vector<1024x1024xf32>
    %mul3A_147 = arith.mulf %mul3A_142, %mul3A_146 : vector<1024x1024xf32>
    %get3A_148 = arith.constant 0 : index
    %get3A_149 = arith.constant 0 : index
    %get3A_150 = vector.load %arg8[%get3A_148, %get3A_149] : memref<1x1024xf32, #tpu.memory_space<vmem>>, vector<1x1024xf32>
    %add3A_151 = vector.broadcast %get3A_150 : vector<1x1024xf32> to vector<1024x1024xf32>
    %add3A_152 = arith.addf %mul3A_147, %add3A_151 : vector<1024x1024xf32>
    %reshape3A_153 = vector.shape_cast %add3A_152 : vector<1024x1024xf32> to vector<1x1024x1024xf32>
    %swap3A_154 = arith.constant 1 : index
    %swap3A_155 = arith.constant 0 : index
    %swap3A_156 = arith.constant 0 : index
    %swap3A_157 = vector.load %arg9[%swap3A_154, %swap3A_155, %swap3A_156] : memref<2x1024x1024xf32, #tpu.memory_space<vmem>>, vector<1x1024x1024xf32>
    tpu.vector_store %arg9[%swap3A_154, %swap3A_155, %swap3A_156], %reshape3A_153 {strides = array<i32>} : memref<2x1024x1024xf32, #tpu.memory_space<vmem>>, vector<1x1024x1024xf32>,
    return
  }
  func.func @transform_0(%arg0: i32) -> (i32, i32, i32) {
    %c0_i32 = arith.constant 0 : i32
    %c0_i32_0 = arith.constant 0 : i32
    %c0_i32_1 = arith.constant 0 : i32
    return %arg0, %c0_i32, %c0_i32_0 : i32, i32, i32
  }
  func.func @transform_1(%arg0: i32) -> (i32, i32, i32) {
    %c0_i32 = arith.constant 0 : i32
    %c0_i32_0 = arith.constant 0 : i32
    %c0_i32_1 = arith.constant 0 : i32
    return %arg0, %c0_i32, %c0_i32_0 : i32, i32, i32
  }
  func.func @transform_2(%arg0: i32) -> (i32, i32) {
    %c0_i32 = arith.constant 0 : i32
    %c0_i32_0 = arith.constant 0 : i32
    return %arg0, %c0_i32 : i32, i32
  }
  func.func @transform_3(%arg0: i32) -> (i32, i32) {
    %c0_i32 = arith.constant 0 : i32
    %c0_i32_0 = arith.constant 0 : i32
    %c0_i32_1 = arith.constant 0 : i32
    return %c0_i32, %c0_i32_0 : i32, i32
  }
  func.func @transform_4(%arg0: i32) -> (i32, i32) {
    %c0_i32 = arith.constant 0 : i32
    %c0_i32_0 = arith.constant 0 : i32
    %c0_i32_1 = arith.constant 0 : i32
    return %c0_i32, %c0_i32_0 : i32, i32
  }
  func.func @transform_5(%arg0: i32) -> (i32, i32) {
    %c0_i32 = arith.constant 0 : i32
    %c0_i32_0 = arith.constant 0 : i32
    %c0_i32_1 = arith.constant 0 : i32
    return %c0_i32, %c0_i32_0 : i32, i32
  }
  func.func @transform_6(%arg0: i32) -> (i32, i32) {
    %c0_i32 = arith.constant 0 : i32
    %c0_i32_0 = arith.constant 0 : i32
    %c0_i32_1 = arith.constant 0 : i32
    return %c0_i32, %c0_i32_0 : i32, i32
  }
  func.func @transform_7(%arg0: i32) -> (i32, i32) {
    %c0_i32 = arith.constant 0 : i32
    %c0_i32_0 = arith.constant 0 : i32
    %c0_i32_1 = arith.constant 0 : i32
    return %c0_i32, %c0_i32_0 : i32, i32
  }
  func.func @transform_8(%arg0: i32) -> (i32, i32, i32) {
    %c0_i32 = arith.constant 0 : i32
    %c0_i32_0 = arith.constant 0 : i32
    %c0_i32_1 = arith.constant 0 : i32
    return %arg0, %c0_i32, %c0_i32_0 : i32, i32, i32
  }
}

module attributes {stable_mosaic.version = 14 : i64} {
  func.func @_tc_body_alias(%arg0: i32, %arg1: memref<50x1024x1024xf32, #tpu.memory_space<any>>, %arg2: memref<2x1x1024xi32, #tpu.memory_space<vmem>>, %arg3: memref<2x1x1024xi32, #tpu.memory_space<vmem>>, %arg4: memref<2048x128xf32, #tpu.memory_space<vmem>>, %arg5: memref<128x1024xbf16, #tpu.memory_space<vmem>>, %arg6: memref<512x1024xbf16, #tpu.memory_space<vmem>>, %arg7: memref<2x1024xf32, #tpu.memory_space<vmem>>, %arg8: memref<1x1024xf32, #tpu.memory_space<vmem>>, %arg9: memref<1x1024xf32, #tpu.memory_space<vmem>>, %arg10: memref<2x1024x1024xf32, #tpu.memory_space<vmem>>) attributes {dimension_semantics = [#tpu.dimension_semantics<arbitrary>], iteration_bounds = array<i64: 21>, scalar_prefetch = 0 : i64, scratch_operands = 0 : i64, tpu.core_type = #tpu.core_type<tc>, window_params = [{}, {transform_indices = @transform_1, window_bounds = array<i64: 2, 1, 1024>}, {transform_indices = @transform_2, window_bounds = array<i64: 2, 1, 1024>}, {transform_indices = @transform_3, window_bounds = array<i64: 2048, 128>}, {pipeline_mode = #tpu.pipeline_mode<synchronous>, transform_indices = @transform_4, window_bounds = array<i64: 128, 1024>}, {pipeline_mode = #tpu.pipeline_mode<synchronous>, transform_indices = @transform_5, window_bounds = array<i64: 512, 1024>}, {pipeline_mode = #tpu.pipeline_mode<synchronous>, transform_indices = @transform_6, window_bounds = array<i64: 2, 1024>}, {pipeline_mode = #tpu.pipeline_mode<synchronous>, transform_indices = @transform_7, window_bounds = array<i64: 1, 1024>}, {pipeline_mode = #tpu.pipeline_mode<synchronous>, transform_indices = @transform_8, window_bounds = array<i64: 1, 1024>}, {transform_indices = @transform_9, window_bounds = array<i64: 2, 1024, 1024>}]} {
    %get3A = arith.constant 0 : index
    %get3A_0 = arith.constant 0 : index
    %get3A_1 = vector.load %arg4[%get3A, %get3A_0] : memref<2048x128xf32, #tpu.memory_space<vmem>>, vector<1024x128xf32>
    %convert_element_type3A = arith.truncf %get3A_1 : vector<1024x128xf32> to vector<1024x128xbf16>
    %get3A_2 = arith.constant 0 : index
    %get3A_3 = arith.constant 0 : index
    %get3A_4 = vector.load %arg5[%get3A_2, %get3A_3] : memref<128x1024xbf16, #tpu.memory_space<vmem>>, vector<128x1024xbf16>
    %dot_general3A = arith.constant dense<0.000000e+00> : vector<1024x1024xf32>
    %dot_general3A_5 = tpu.matmul %convert_element_type3A, %get3A_4, %dot_general3A {dimension_numbers = #tpu.dot_dimension_numbers<[1], [0], [0], [1], [0, 0, 1, 1], [], []>, transpose_lhs_hint = false} : vector<1024x128xbf16>, vector<128x1024xbf16>, vector<1024x1024xf32> -> vector<1024x1024xf32>
    %get3A_6 = arith.constant 0 : index
    %get3A_7 = arith.constant 0 : index
    %get3A_8 = arith.constant 0 : index
    %get3A_9 = vector.load %arg2[%get3A_6, %get3A_7, %get3A_8] : memref<2x1x1024xi32, #tpu.memory_space<vmem>>, vector<1x1x1024xi32>
    %get3A_10 = vector.shape_cast %get3A_9 : vector<1x1x1024xi32> to vector<1024xi32>
    %iota3A = tpu.iota {dimensions = array<i32: 1>} : vector<1024x512xi32>
    %broadcast_in_dim3A = vector.shape_cast %get3A_10 : vector<1024xi32> to vector<1024x1xi32>
    %eq3A = vector.broadcast %broadcast_in_dim3A : vector<1024x1xi32> to vector<1024x512xi32>
    %eq3A_11 = arith.cmpi eq, %iota3A, %eq3A : vector<1024x512xi32>
    %convert_element_type3A_12 = arith.extui %eq3A_11 : vector<1024x512xi1> to vector<1024x512xi32>
    %convert_element_type3A_13 = arith.sitofp %convert_element_type3A_12 : vector<1024x512xi32> to vector<1024x512xf32>
    %convert_element_type3A_14 = arith.truncf %convert_element_type3A_13 : vector<1024x512xf32> to vector<1024x512xbf16>
    %get3A_15 = arith.constant 0 : index
    %get3A_16 = arith.constant 0 : index
    %get3A_17 = vector.load %arg6[%get3A_15, %get3A_16] : memref<512x1024xbf16, #tpu.memory_space<vmem>>, vector<512x1024xbf16>
    %dot_general3A_18 = arith.constant dense<0.000000e+00> : vector<1024x1024xf32>
    %dot_general3A_19 = tpu.matmul %convert_element_type3A_14, %get3A_17, %dot_general3A_18 {dimension_numbers = #tpu.dot_dimension_numbers<[1], [0], [0], [1], [0, 0, 1, 1], [], []>, transpose_lhs_hint = false} : vector<1024x512xbf16>, vector<512x1024xbf16>, vector<1024x1024xf32> -> vector<1024x1024xf32>
    %get3A_20 = arith.constant 0 : index
    %get3A_21 = arith.constant 0 : index
    %get3A_22 = arith.constant 0 : index
    %get3A_23 = vector.load %arg3[%get3A_20, %get3A_21, %get3A_22] : memref<2x1x1024xi32, #tpu.memory_space<vmem>>, vector<1x1x1024xi32>
    %get3A_24 = vector.shape_cast %get3A_23 : vector<1x1x1024xi32> to vector<1024xi32>
    %convert_element_type3A_25 = arith.sitofp %get3A_24 : vector<1024xi32> to vector<1024xf32>
    %broadcast_in_dim3A_26 = vector.shape_cast %convert_element_type3A_25 : vector<1024xf32> to vector<1024x1xf32>
    %get3A_27 = arith.constant 0 : index
    %get3A_28 = arith.constant 0 : index
    %get3A_29 = vector.load %arg7[%get3A_27, %get3A_28] : memref<2x1024xf32, #tpu.memory_space<vmem>>, vector<1x1024xf32>
    %get3A_30 = arith.constant 1 : index
    %get3A_31 = arith.constant 0 : index
    %get3A_32 = vector.load %arg7[%get3A_30, %get3A_31] : memref<2x1024xf32, #tpu.memory_space<vmem>>, vector<1x1024xf32>
    %get3A_33 = arith.constant 0 : index
    %get3A_34 = arith.constant 0 : index
    %get3A_35 = vector.load %arg7[%get3A_33, %get3A_34] : memref<2x1024xf32, #tpu.memory_space<vmem>>, vector<1x1024xf32>
    %sub3A = arith.subf %get3A_32, %get3A_35 : vector<1x1024xf32>
    %mul3A = vector.broadcast %broadcast_in_dim3A_26 : vector<1024x1xf32> to vector<1024x1024xf32>
    %mul3A_36 = vector.broadcast %sub3A : vector<1x1024xf32> to vector<1024x1024xf32>
    %mul3A_37 = arith.mulf %mul3A, %mul3A_36 : vector<1024x1024xf32>
    %add3A = vector.broadcast %get3A_29 : vector<1x1024xf32> to vector<1024x1024xf32>
    %add3A_38 = arith.addf %add3A, %mul3A_37 : vector<1024x1024xf32>
    %add3A_39 = arith.addf %dot_general3A_5, %dot_general3A_19 : vector<1024x1024xf32>
    %add3A_40 = arith.addf %add3A_39, %add3A_38 : vector<1024x1024xf32>
    %reduce_sum3A = arith.constant dense<0.000000e+00> : vector<1024xf32>
    %reduce_sum3A_41 = vector.multi_reduction <add>, %add3A_40, %reduce_sum3A [1] : vector<1024x1024xf32> to vector<1024xf32>
    %broadcast_in_dim3A_42 = vector.shape_cast %reduce_sum3A_41 : vector<1024xf32> to vector<1024x1xf32>
    %div3A = arith.constant 1.024000e+03 : f32
    %div3A_43 = vector.broadcast %div3A : f32 to vector<1024x1xf32>
    %div3A_44 = arith.divf %broadcast_in_dim3A_42, %div3A_43 : vector<1024x1xf32>
    %sub3A_45 = vector.broadcast %div3A_44 : vector<1024x1xf32> to vector<1024x1024xf32>
    %sub3A_46 = arith.subf %add3A_40, %sub3A_45 : vector<1024x1024xf32>
    %mul3A_47 = arith.mulf %sub3A_46, %sub3A_46 : vector<1024x1024xf32>
    %reduce_sum3A_48 = arith.constant dense<0.000000e+00> : vector<1024xf32>
    %reduce_sum3A_49 = vector.multi_reduction <add>, %mul3A_47, %reduce_sum3A_48 [1] : vector<1024x1024xf32> to vector<1024xf32>
    %broadcast_in_dim3A_50 = vector.shape_cast %reduce_sum3A_49 : vector<1024xf32> to vector<1024x1xf32>
    %div3A_51 = arith.constant 1.024000e+03 : f32
    %div3A_52 = vector.broadcast %div3A_51 : f32 to vector<1024x1xf32>
    %div3A_53 = arith.divf %broadcast_in_dim3A_50, %div3A_52 : vector<1024x1xf32>
    %add3A_54 = arith.constant 9.99999996E-13 : f32
    %add3A_55 = vector.broadcast %add3A_54 : f32 to vector<1024x1xf32>
    %add3A_56 = arith.addf %div3A_53, %add3A_55 : vector<1024x1xf32>
    %rsqrt3A = math.rsqrt %add3A_56 : vector<1024x1xf32>
    %mul3A_57 = vector.broadcast %rsqrt3A : vector<1024x1xf32> to vector<1024x1024xf32>
    %mul3A_58 = arith.mulf %sub3A_46, %mul3A_57 : vector<1024x1024xf32>
    %get3A_59 = arith.constant 0 : index
    %get3A_60 = arith.constant 0 : index
    %get3A_61 = vector.load %arg8[%get3A_59, %get3A_60] : memref<1x1024xf32, #tpu.memory_space<vmem>>, vector<1x1024xf32>
    %mul3A_62 = vector.broadcast %get3A_61 : vector<1x1024xf32> to vector<1024x1024xf32>
    %mul3A_63 = arith.mulf %mul3A_58, %mul3A_62 : vector<1024x1024xf32>
    %get3A_64 = arith.constant 0 : index
    %get3A_65 = arith.constant 0 : index
    %get3A_66 = vector.load %arg9[%get3A_64, %get3A_65] : memref<1x1024xf32, #tpu.memory_space<vmem>>, vector<1x1024xf32>
    %add3A_67 = vector.broadcast %get3A_66 : vector<1x1024xf32> to vector<1024x1024xf32>
    %add3A_68 = arith.addf %mul3A_63, %add3A_67 : vector<1024x1024xf32>
    %reshape3A = vector.shape_cast %add3A_68 : vector<1024x1024xf32> to vector<1x1024x1024xf32>
    %swap3A = arith.constant 0 : index
    %swap3A_69 = arith.constant 0 : index
    %swap3A_70 = arith.constant 0 : index
    %swap3A_71 = vector.load %arg10[%swap3A, %swap3A_69, %swap3A_70] : memref<2x1024x1024xf32, #tpu.memory_space<vmem>>, vector<1x1024x1024xf32>
    tpu.vector_store %arg10[%swap3A, %swap3A_69, %swap3A_70], %reshape3A {strides = array<i32>} : memref<2x1024x1024xf32, #tpu.memory_space<vmem>>, vector<1x1024x1024xf32>,
    %get3A_72 = arith.constant 1024 : index
    %get3A_73 = arith.constant 0 : index
    %get3A_74 = vector.load %arg4[%get3A_72, %get3A_73] : memref<2048x128xf32, #tpu.memory_space<vmem>>, vector<1024x128xf32>
    %convert_element_type3A_75 = arith.truncf %get3A_74 : vector<1024x128xf32> to vector<1024x128xbf16>
    %get3A_76 = arith.constant 0 : index
    %get3A_77 = arith.constant 0 : index
    %get3A_78 = vector.load %arg5[%get3A_76, %get3A_77] : memref<128x1024xbf16, #tpu.memory_space<vmem>>, vector<128x1024xbf16>
    %dot_general3A_79 = arith.constant dense<0.000000e+00> : vector<1024x1024xf32>
    %dot_general3A_80 = tpu.matmul %convert_element_type3A_75, %get3A_78, %dot_general3A_79 {dimension_numbers = #tpu.dot_dimension_numbers<[1], [0], [0], [1], [0, 0, 1, 1], [], []>, transpose_lhs_hint = false} : vector<1024x128xbf16>, vector<128x1024xbf16>, vector<1024x1024xf32> -> vector<1024x1024xf32>
    %get3A_81 = arith.constant 1 : index
    %get3A_82 = arith.constant 0 : index
    %get3A_83 = arith.constant 0 : index
    %get3A_84 = vector.load %arg2[%get3A_81, %get3A_82, %get3A_83] : memref<2x1x1024xi32, #tpu.memory_space<vmem>>, vector<1x1x1024xi32>
    %get3A_85 = vector.shape_cast %get3A_84 : vector<1x1x1024xi32> to vector<1024xi32>
    %iota3A_86 = tpu.iota {dimensions = array<i32: 1>} : vector<1024x512xi32>
    %broadcast_in_dim3A_87 = vector.shape_cast %get3A_85 : vector<1024xi32> to vector<1024x1xi32>
    %eq3A_88 = vector.broadcast %broadcast_in_dim3A_87 : vector<1024x1xi32> to vector<1024x512xi32>
    %eq3A_89 = arith.cmpi eq, %iota3A_86, %eq3A_88 : vector<1024x512xi32>
    %convert_element_type3A_90 = arith.extui %eq3A_89 : vector<1024x512xi1> to vector<1024x512xi32>
    %convert_element_type3A_91 = arith.sitofp %convert_element_type3A_90 : vector<1024x512xi32> to vector<1024x512xf32>
    %convert_element_type3A_92 = arith.truncf %convert_element_type3A_91 : vector<1024x512xf32> to vector<1024x512xbf16>
    %get3A_93 = arith.constant 0 : index
    %get3A_94 = arith.constant 0 : index
    %get3A_95 = vector.load %arg6[%get3A_93, %get3A_94] : memref<512x1024xbf16, #tpu.memory_space<vmem>>, vector<512x1024xbf16>
    %dot_general3A_96 = arith.constant dense<0.000000e+00> : vector<1024x1024xf32>
    %dot_general3A_97 = tpu.matmul %convert_element_type3A_92, %get3A_95, %dot_general3A_96 {dimension_numbers = #tpu.dot_dimension_numbers<[1], [0], [0], [1], [0, 0, 1, 1], [], []>, transpose_lhs_hint = false} : vector<1024x512xbf16>, vector<512x1024xbf16>, vector<1024x1024xf32> -> vector<1024x1024xf32>
    %get3A_98 = arith.constant 1 : index
    %get3A_99 = arith.constant 0 : index
    %get3A_100 = arith.constant 0 : index
    %get3A_101 = vector.load %arg3[%get3A_98, %get3A_99, %get3A_100] : memref<2x1x1024xi32, #tpu.memory_space<vmem>>, vector<1x1x1024xi32>
    %get3A_102 = vector.shape_cast %get3A_101 : vector<1x1x1024xi32> to vector<1024xi32>
    %convert_element_type3A_103 = arith.sitofp %get3A_102 : vector<1024xi32> to vector<1024xf32>
    %broadcast_in_dim3A_104 = vector.shape_cast %convert_element_type3A_103 : vector<1024xf32> to vector<1024x1xf32>
    %get3A_105 = arith.constant 0 : index
    %get3A_106 = arith.constant 0 : index
    %get3A_107 = vector.load %arg7[%get3A_105, %get3A_106] : memref<2x1024xf32, #tpu.memory_space<vmem>>, vector<1x1024xf32>
    %get3A_108 = arith.constant 1 : index
    %get3A_109 = arith.constant 0 : index
    %get3A_110 = vector.load %arg7[%get3A_108, %get3A_109] : memref<2x1024xf32, #tpu.memory_space<vmem>>, vector<1x1024xf32>
    %get3A_111 = arith.constant 0 : index
    %get3A_112 = arith.constant 0 : index
    %get3A_113 = vector.load %arg7[%get3A_111, %get3A_112] : memref<2x1024xf32, #tpu.memory_space<vmem>>, vector<1x1024xf32>
    %sub3A_114 = arith.subf %get3A_110, %get3A_113 : vector<1x1024xf32>
    %mul3A_115 = vector.broadcast %broadcast_in_dim3A_104 : vector<1024x1xf32> to vector<1024x1024xf32>
    %mul3A_116 = vector.broadcast %sub3A_114 : vector<1x1024xf32> to vector<1024x1024xf32>
    %mul3A_117 = arith.mulf %mul3A_115, %mul3A_116 : vector<1024x1024xf32>
    %add3A_118 = vector.broadcast %get3A_107 : vector<1x1024xf32> to vector<1024x1024xf32>
    %add3A_119 = arith.addf %add3A_118, %mul3A_117 : vector<1024x1024xf32>
    %add3A_120 = arith.addf %dot_general3A_80, %dot_general3A_97 : vector<1024x1024xf32>
    %add3A_121 = arith.addf %add3A_120, %add3A_119 : vector<1024x1024xf32>
    %reduce_sum3A_122 = arith.constant dense<0.000000e+00> : vector<1024xf32>
    %reduce_sum3A_123 = vector.multi_reduction <add>, %add3A_121, %reduce_sum3A_122 [1] : vector<1024x1024xf32> to vector<1024xf32>
    %broadcast_in_dim3A_124 = vector.shape_cast %reduce_sum3A_123 : vector<1024xf32> to vector<1024x1xf32>
    %div3A_125 = arith.constant 1.024000e+03 : f32
    %div3A_126 = vector.broadcast %div3A_125 : f32 to vector<1024x1xf32>
    %div3A_127 = arith.divf %broadcast_in_dim3A_124, %div3A_126 : vector<1024x1xf32>
    %sub3A_128 = vector.broadcast %div3A_127 : vector<1024x1xf32> to vector<1024x1024xf32>
    %sub3A_129 = arith.subf %add3A_121, %sub3A_128 : vector<1024x1024xf32>
    %mul3A_130 = arith.mulf %sub3A_129, %sub3A_129 : vector<1024x1024xf32>
    %reduce_sum3A_131 = arith.constant dense<0.000000e+00> : vector<1024xf32>
    %reduce_sum3A_132 = vector.multi_reduction <add>, %mul3A_130, %reduce_sum3A_131 [1] : vector<1024x1024xf32> to vector<1024xf32>
    %broadcast_in_dim3A_133 = vector.shape_cast %reduce_sum3A_132 : vector<1024xf32> to vector<1024x1xf32>
    %div3A_134 = arith.constant 1.024000e+03 : f32
    %div3A_135 = vector.broadcast %div3A_134 : f32 to vector<1024x1xf32>
    %div3A_136 = arith.divf %broadcast_in_dim3A_133, %div3A_135 : vector<1024x1xf32>
    %add3A_137 = arith.constant 9.99999996E-13 : f32
    %add3A_138 = vector.broadcast %add3A_137 : f32 to vector<1024x1xf32>
    %add3A_139 = arith.addf %div3A_136, %add3A_138 : vector<1024x1xf32>
    %rsqrt3A_140 = math.rsqrt %add3A_139 : vector<1024x1xf32>
    %mul3A_141 = vector.broadcast %rsqrt3A_140 : vector<1024x1xf32> to vector<1024x1024xf32>
    %mul3A_142 = arith.mulf %sub3A_129, %mul3A_141 : vector<1024x1024xf32>
    %get3A_143 = arith.constant 0 : index
    %get3A_144 = arith.constant 0 : index
    %get3A_145 = vector.load %arg8[%get3A_143, %get3A_144] : memref<1x1024xf32, #tpu.memory_space<vmem>>, vector<1x1024xf32>
    %mul3A_146 = vector.broadcast %get3A_145 : vector<1x1024xf32> to vector<1024x1024xf32>
    %mul3A_147 = arith.mulf %mul3A_142, %mul3A_146 : vector<1024x1024xf32>
    %get3A_148 = arith.constant 0 : index
    %get3A_149 = arith.constant 0 : index
    %get3A_150 = vector.load %arg9[%get3A_148, %get3A_149] : memref<1x1024xf32, #tpu.memory_space<vmem>>, vector<1x1024xf32>
    %add3A_151 = vector.broadcast %get3A_150 : vector<1x1024xf32> to vector<1024x1024xf32>
    %add3A_152 = arith.addf %mul3A_147, %add3A_151 : vector<1024x1024xf32>
    %reshape3A_153 = vector.shape_cast %add3A_152 : vector<1024x1024xf32> to vector<1x1024x1024xf32>
    %swap3A_154 = arith.constant 1 : index
    %swap3A_155 = arith.constant 0 : index
    %swap3A_156 = arith.constant 0 : index
    %swap3A_157 = vector.load %arg10[%swap3A_154, %swap3A_155, %swap3A_156] : memref<2x1024x1024xf32, #tpu.memory_space<vmem>>, vector<1x1024x1024xf32>
    tpu.vector_store %arg10[%swap3A_154, %swap3A_155, %swap3A_156], %reshape3A_153 {strides = array<i32>} : memref<2x1024x1024xf32, #tpu.memory_space<vmem>>, vector<1x1024x1024xf32>,
    return
  }
  func.func @transform_1(%arg0: i32) -> (i32, i32, i32) {
    %c0_i32 = arith.constant 0 : i32
    %c0_i32_0 = arith.constant 0 : i32
    %c0_i32_1 = arith.constant 0 : i32
    return %arg0, %c0_i32, %c0_i32_0 : i32, i32, i32
  }
  func.func @transform_2(%arg0: i32) -> (i32, i32, i32) {
    %c0_i32 = arith.constant 0 : i32
    %c0_i32_0 = arith.constant 0 : i32
    %c0_i32_1 = arith.constant 0 : i32
    return %arg0, %c0_i32, %c0_i32_0 : i32, i32, i32
  }
  func.func @transform_3(%arg0: i32) -> (i32, i32) {
    %c0_i32 = arith.constant 0 : i32
    %c0_i32_0 = arith.constant 0 : i32
    return %arg0, %c0_i32 : i32, i32
  }
  func.func @transform_4(%arg0: i32) -> (i32, i32) {
    %c0_i32 = arith.constant 0 : i32
    %c0_i32_0 = arith.constant 0 : i32
    %c0_i32_1 = arith.constant 0 : i32
    return %c0_i32, %c0_i32_0 : i32, i32
  }
  func.func @transform_5(%arg0: i32) -> (i32, i32) {
    %c0_i32 = arith.constant 0 : i32
    %c0_i32_0 = arith.constant 0 : i32
    %c0_i32_1 = arith.constant 0 : i32
    return %c0_i32, %c0_i32_0 : i32, i32
  }
  func.func @transform_6(%arg0: i32) -> (i32, i32) {
    %c0_i32 = arith.constant 0 : i32
    %c0_i32_0 = arith.constant 0 : i32
    %c0_i32_1 = arith.constant 0 : i32
    return %c0_i32, %c0_i32_0 : i32, i32
  }
  func.func @transform_7(%arg0: i32) -> (i32, i32) {
    %c0_i32 = arith.constant 0 : i32
    %c0_i32_0 = arith.constant 0 : i32
    %c0_i32_1 = arith.constant 0 : i32
    return %c0_i32, %c0_i32_0 : i32, i32
  }
  func.func @transform_8(%arg0: i32) -> (i32, i32) {
    %c0_i32 = arith.constant 0 : i32
    %c0_i32_0 = arith.constant 0 : i32
    %c0_i32_1 = arith.constant 0 : i32
    return %c0_i32, %c0_i32_0 : i32, i32
  }
  func.func @transform_9(%arg0: i32) -> (i32, i32, i32) {
    %add3A = arith.constant 4 : i32
    %add3A_0 = arith.addi %arg0, %add3A : i32
    %c0_i32 = arith.constant 0 : i32
    %c0_i32_1 = arith.constant 0 : i32
    %c0_i32_2 = arith.constant 0 : i32
    return %add3A_0, %c0_i32, %c0_i32_1 : i32, i32, i32
  }
}

</mosaic_0001>

<sc_bundles>
// kernel: kernel.6.cloned.1.call-start
scs
__scs_entry_jumppad:
0x0: {  	(pc) =	sbr.rel $0x88, $3  }
0x1: {  	(tag) =	ssettag $0x0;
	lr =	simm.s32 $0x1  }
0x2: {  	[smem:$0x3F98] =	sst lr;
	_ =	strace $0xD0000000  }
0x3: {  	_ = 	snop  }
0x4: {  	_ = 	snop  }
0x5: {  	_ = 	snop  }
0x6: {  	_ = 	snop  }
0x7: {  	_ = 	snop  }
__scs_overlays_trampoline_lowered:
0x8: {  	[smem:$0x3FA7] =	sst s0  }
0x9: {  	[smem:$0x3FA8] =	sst s1  }
0xa: {  	[smem:$0x3FA9] =	sst s2  }
0xb: {  	[smem:$0x3FAA] =	sst s3  }
0xc: {  	[smem:$0x3FAB] =	sst s4  }
0xd: {  	[smem:$0x3FAC] =	sst s5  }
0xe: {  	[smem:$0x3FAD] =	sst s6  }
0xf: {  	[smem:$0x3FAE] =	sst s7  }
0x10: {  	[smem:$0x3FAF] =	sst s8  }
0x11: {  	[smem:$0x3FB0] =	sst s9;
	s0 =	simm.s32 @!p0 $0x0  }
0x12: {  	s1 =	sld [smem:$0x3F96];
	s0 =	simm.s32 @p0 $0x1  }
0x13: {  	[smem:$0x3FB1] =	sst s0;
	s0 =	simm.s32 @!p1 $0x0  }
0x14: {  	s2 =	sld [smem:$0x3F95];
	s0 =	simm.s32 @p1 $0x1  }
0x15: {  	[smem:$0x3FB2] =	sst s0;
	s0 =	simm.s32 @!p2 $0x0  }
0x16: {  	s3 =	sld [smem:$0x3FDB];
	s0 =	simm.s32 @p2 $0x1  }
0x17: {  	s4 =	simm.s32 $0x1BF5;
	[smem:$0x3FB4] =	sst s0  }
0x18: {  	s0 =	sld [smem:$0x3F97];
	_ =	swait.ge [sflag:s4], $0x0  }
0x19: {  	s7 =	sld [smem:$0x3F98]  }
0x1a: {  	s8 =	sadd.s32 $0xFFFFE003, lr  }
0x1b: {  	s9 =	sadd.s32 $0xFFFFFEF7, lr;
	s5 =	simm.s32 $0xFFFFFFFF;
	p2 =	slt.u32 s8, $0xFFFFF086  }
0x1c: {  	p1 =	slt.u32 s9, $0xF7A;
	s5 =	simm.s32 @!p2 $0x0  }
0x1d: {  	s5 =	simm.s32 @p1 $0x1;
	p0 =	seq.s32 s7, s2  }
0x1e: {  	s7 =	smul.u32 @!p0 $0xF7A, s2;
	p2 =	seq.s32 @!p0 s5, $0x0  }
0x1f: {  	s9 =	smul.u32 $0xF7A, s1;
	s8 =	simm.s32 @!p0 $0x1BF5;
	p2 =	por !p2, p0  }
0x20: {  	[sflag:s8] =	ssyncset.s32 @!p0 $0xFFFFF086;
	s6 =	sadd.s32 @!p0 s3, s7;
	s7 =	simm.s32 @!p0 $0x108  }
0x21: {  	s3 =	sadd.s32 s3, s9;
	s6 =	sadd.s32 @!p0 $0x88, s6;
	s7 =	simm.s32 @p2 $0x1082  }
0x22: {  	[simem:s7], [sflag:s8] =	dma.local @!p0 [hbm:s6], $0xF7A  }
0x23: {  	s9 =	sor.u32 $0xD0000000, s2;
	s6 =	simm.s32 $0x108;
	_ =	swait.ge @!p0 [sflag:s8], $0x0  }
0x24: {  	s3 =	sadd.s32 $0x88, s3;
	s6 =	simm.s32 @!p1 $0x1082;
	[sflag:s4] =	ssyncset.s32 $0xFFFFF086  }
0x25: {  	[simem:s6], [sflag:s4] =	dma.local [hbm:s3], $0xF7A  }
0x26: {  	[smem:$0x3F98] =	sst s1;
	(tag) =	ssettag s2;
	_ =	strace s9  }
0x27: {  	s1 =	sld [smem:$0x3FA8]  }
0x28: {  	s2 =	sld [smem:$0x3FA9]  }
0x29: {  	s4 =	sld [smem:$0x3FAB]  }
0x2a: {  	p0 =	seq.s32 s5, $0x0;
	s5 =	sld [smem:$0x3FAC]  }
0x2b: {  	s6 =	sld [smem:$0x3FAD]  }
0x2c: {  	s7 =	sld [smem:$0x3FAE]  }
0x2d: {  	s3 =	simm.s32 $0x108;
	s8 =	sld [smem:$0x3FAF]  }
0x2e: {  	s3 =	simm.s32 @!p0 $0x1082;
	s9 =	sld [smem:$0x3FB0]  }
0x2f: {  	lr =	sadd.s32 s0, s3;
	s0 =	sld [smem:$0x3FA7]  }
0x30: {  	s3 =	sld [smem:$0x3FAA]  }
0x31: {  	[smem:$0x3FB3] =	sst s10  }
0x32: {  	s10 =	sld [smem:$0x3FB1];
	_ =	sdelay $0x3  }
0x33: {  	p0 =	seq.s32 s10, $0x1;
	s10 =	sld [smem:$0x3FB3];
	_ =	sdelay $0x3  }
0x34: {  	[smem:$0x3FB3] =	sst s10  }
0x35: {  	s10 =	sld [smem:$0x3FB2];
	_ =	sdelay $0x3  }
0x36: {  	p1 =	seq.s32 s10, $0x1;
	s10 =	sld [smem:$0x3FB3];
	_ =	sdelay $0x3  }
0x37: {  	[smem:$0x3FB3] =	sst s10  }
0x38: {  	s10 =	sld [smem:$0x3FB4]  }
0x39: {  	_ = 	snop;
	(pc) =	sbr.ind lr, $3  }
0x3a: {  	_ = 	snop  }
0x3b: {  	_ = 	snop  }
0x3c: {  	p2 =	seq.s32 s10, $0x1;
	s10 =	sld [smem:$0x3FB3]  }
0x3d: {  	_ =	shalt  }
0x3e: {  	_ =	shalt  }
0x3f: {  	_ =	shalt  }
0x40: {  	_ =	shalt  }
0x41: {  	_ =	shalt  }
0x42: {  	_ =	shalt  }
0x43: {  	_ =	shalt  }
0x44: {  	_ =	shalt  }
0x45: {  	_ =	shalt  }
0x46: {  	_ =	shalt  }
0x47: {  	_ =	shalt  }
0x48: {  	_ =	shalt  }
0x49: {  	_ =	shalt  }
0x4a: {  	_ =	shalt  }
0x4b: {  	_ =	shalt  }
0x4c: {  	_ =	shalt  }
0x4d: {  	_ =	shalt  }
0x4e: {  	_ =	shalt  }
0x4f: {  	_ =	shalt  }
0x50: {  	_ =	shalt  }
0x51: {  	_ =	shalt  }
0x52: {  	_ =	shalt  }
0x53: {  	_ =	shalt  }
0x54: {  	_ =	shalt  }
0x55: {  	_ =	shalt  }
0x56: {  	_ =	shalt  }
0x57: {  	_ =	shalt  }
0x58: {  	_ =	shalt  }
0x59: {  	_ =	shalt  }
0x5a: {  	_ =	shalt  }
0x5b: {  	_ =	shalt  }
0x5c: {  	_ =	shalt  }
0x5d: {  	_ =	shalt  }
0x5e: {  	_ =	shalt  }
0x5f: {  	_ =	shalt  }
0x60: {  	_ =	shalt  }
0x61: {  	_ =	shalt  }
0x62: {  	_ =	shalt  }
0x63: {  	_ =	shalt  }
0x64: {  	_ =	shalt  }
0x65: {  	_ =	shalt  }
0x66: {  	_ =	shalt  }
0x67: {  	_ =	shalt  }
0x68: {  	_ =	shalt  }
0x69: {  	_ =	shalt  }
0x6a: {  	_ =	shalt  }
0x6b: {  	_ =	shalt  }
0x6c: {  	_ =	shalt  }
0x6d: {  	_ =	shalt  }
0x6e: {  	_ =	shalt  }
0x6f: {  	_ =	shalt  }
0x70: {  	_ =	shalt  }
0x71: {  	_ =	shalt  }
0x72: {  	_ =	shalt  }
0x73: {  	_ =	shalt  }
0x74: {  	_ =	shalt  }
0x75: {  	_ =	shalt  }
0x76: {  	_ =	shalt  }
0x77: {  	_ =	shalt  }
0x78: {  	_ =	shalt  }
0x79: {  	_ =	shalt  }
0x7a: {  	_ =	shalt  }
0x7b: {  	_ =	shalt  }
0x7c: {  	_ =	shalt  }
0x7d: {  	_ =	shalt  }
0x7e: {  	_ =	shalt  }
0x7f: {  	_ =	shalt  }
0x80: {  	_ =	shalt  }
0x81: {  	_ =	shalt  }
0x82: {  	_ =	shalt  }
0x83: {  	_ =	shalt  }
0x84: {  	_ =	shalt  }
0x85: {  	_ =	shalt  }
0x86: {  	_ =	shalt  }
0x87: {  	_ =	shalt  }
.Lfunc_end0:
.L_simem_size_0:
called_computation_lowered:
.L_overlay_start_0:
0x88: {  	s2 =	sld [smem:$0x3FD9]  }
0x89: {  	s3 =	sld [smem:$0x3FFE];
	_ =	sdelay $0x1  }
0x8a: {  	s1 =	srdreg.scid  }
0x8b: {  	s0 =	sand.u32 $0x1, s1  }
0x8c: {  	s17 =	sshll.u32 s0, $0xA;
	s2 =	sadd.s32 s3, s2  }
0x8d: {  	s2 =	sadd.s32 s2, s17  }
0x8e: {  	[smem:$0x3FBF] =	sst s2  }
0x8f: {  	_ = 	snop  }
0x90: {  	s2 =	sld [smem:$0x3FC6]  }
0x91: {  	s18 =	sld [smem:$0x3FD0];
	(tm) =	ssettm $0x1  }
0x92: {  	s4 =	sld [smem:$0x3FFB];
	_ =	sdelay $0x3  }
0x93: {  	_ =	strace s4  }
0x94: {  	s4 =	sld [smem:$0x3FFC];
	_ =	sdelay $0x3  }
0x95: {  	_ =	strace s4  }
0x96: {  	s4 =	sld [smem:$0x3FFD];
	_ =	sdelay $0x3  }
0x97: {  	_ =	strace s4  }
0x98: {  	_ =	strace $0x8FFFFFFF  }
0x99: {  	s19 =	sld [smem:$0x3FDB];
	_ =	sdelay $0x1  }
0x9a: {  	s5 =	simm.s32 $_scs_section_size  }
0x9b: {  	s6 =	simm.s32 $_size__tile_overlayer_lowered;
	s7 =	simm.s32 $_tile_overlayer_lowered  }
0x9c: {  	s22 =	simm.s32 $0x1BFF;
	s21 =	sshll.u32 s7, $0x1;
	s4 =	sadd.s32 s5, s19  }
0x9d: {  	s8 =	simm.s32 $0x0;
	s20 =	sshll.u32 s6, $0x1;
	s6 =	sadd.s32 s21, s4  }
0x9e: {  	[timem:s8], [sflag:s22] =	dma.local [hbm:s6], s20  }
0x9f: {  	_ =	swait.ge [sflag:s22], s20  }
0xa0: {  	s5 =	ssub.s32 $0x0, s20;
	[sflag:s22] =	ssyncset.done $0x0  }
0xa1: {  	[sflag:s22] =	ssyncadd.s32 s5;
	_ =	sdelay $0x1  }
0xa2: {  	s23 =	simm.s32 $0x1B8B  }
0xa3: {  	_ =	swait.ge [sflag:s23], $0x1  }
0xa4: {  	[sflag:s23] =	ssyncset.done $0x0  }
0xa5: {  	s25 =	simm.s32 $0x1B8E;
	s24 =	sld [smem:$0x3FFE];
	[sflag:s23] =	ssyncadd.s32 $0xFFFFFFFF  }
0xa6: {  	s26 =	simm.s32 $execute0_lowered;
	[smem:$0x3FD2] =	sst s25  }
0xa7: {  	s6 =	sshll.u32 s26, $0x1;
	_ =	strace $0x80000046;
	[dreg:$0x1] =	wrdreg $0xFFFFFFFF  }
0xa8: {  	s28 =	simm.s32 $_size_execute0_lowered;
	s4 =	sadd.s32 s4, s6;
	[dreg:$0x0] =	wrdreg $0x0  }
0xa9: {  	s6 =	sshll.u32 s28, $0x1;
	[dreg:$0x2] =	wrdreg s4  }
0xaa: {  	[dreg:$0x3] =	wrdreg s6  }
0xab: {  	[dreg:$0x4] =	wrdreg $0xC0  }
0xac: {  	_ =	task [dreg:s8], $0x5FFFF  }
0xad: {  	[dreg:$0x1] =	wrdreg $0xFFFFFFFF  }
0xae: {  	[dreg:$0x0] =	wrdreg $0x60  }
0xaf: {  	[dreg:$0x2] =	wrdreg s24  }
0xb0: {  	[dreg:$0x3] =	wrdreg s2  }
0xb1: {  	[dreg:$0x4] =	wrdreg s18  }
0xb2: {  	[dreg:$0x5] =	wrdreg $0x9  }
0xb3: {  	_ =	task.clear_ibuf [dreg:s8], $0x6FFFF;
	_ =	strace $0x90000046  }
0xb4: {  	s29 =	simm.s32 $0x9;
	_ =	strace $0x80000048  }
0xb5: {  	_ =	swait.ge [sflag:s29], $0x1  }
0xb6: {  	[sflag:s29] =	ssyncadd.s32 $0xFFFFFFFF  }
0xb7: {  	_ =	strace $0x90000048  }
0xb8: {  	_ =	sfence  }
0xb9: {  	s30 =	sld [smem:$0x0];
	_ =	sdelay $0x2  }
0xba: {  	s31 =	sshll.u32 s1, $0xD;
	s1 =	sshrl.u32 s1, $0x2  }
0xbb: {  	s3 =	sand.u32 $0x4000, s31;
	s1 =	sadd.s32 s1, s30  }
0xbc: {  	s0 =	sor.u32 s3, s0;
	s1 =	sshll.u32 s1, $0x11  }
0xbd: {  	s0 =	sor.u32 s1, s0  }
0xbe: {  	s0 =	sadd.s32 $0x8F2B, s0  }
0xbf: {  	[sflag:s0] =	ssyncadd.remote.s32 $0x1  }
0xc0: {  	_ =	sfence.sel $0xFFFF  }
0xc1: {  	[dreg:$0x0] =	wrdreg $0xFFFFFFFF;
	(pc) =	sbr.abs _section_cstart, $3  }
0xc2: {  	[dreg:$0x1] =	wrdreg $0xFFFFFFFF  }
0xc3: {  	_ =	task.clear_ibuf [dreg:s8], $0x2FFFF;
	_ =	strace $0x9FFFFFFF  }
0xc4: {  	(tm) =	ssettm $0x7FFFFFFF  }
0xc5: {  	_ =	shalt  }
tec
execute0_lowered:
.L_overlay_start_1:
0x0: {  	(tag) =	ssettag $0x1  }
0x1: {  	s1 =	srdreg.scid  }
0x2: {  	s4 =	rddreg [dreg:$0x0];
	s0 =	stileid.u32;
	s6 =	sand.u32 $0x1, s1  }
0x3: {  	s2 =	rddreg [dreg:$0x1];
	s30 =	sshll.u32 s0, $0x9;
	s3 =	sshll.u32 s6, $0x8  }
0x4: {  	s8 =	rddreg [dreg:$0x2];
	s9 =	sor.u32 s3, s30  }
0x5: {  	s1 =	rddreg [dreg:$0x3];
	s3 =	simm.s32 $0x0;
	s5 =	sshrl.u32 s9, $0x3  }
0x6: {  	s10 =	ssub.s32 $0x2, s6;
	[smem:$0x7FF] =	sst s3;
	s4 =	sadd.s32 s5, s4  }
0x7: {  	_ =	strace $0x80000047;
	s5 =	sadd.s32 $0x1A00, s4;
	s4 =	simm.s32 $0x2  }
0x8: {  	[tilespmem:s3], [sflag:$0x2] =	stream.linear.gather [hbm4b:s5+s3], $0x100, $0x38;
	[tilespmem:$0x8100] =	vst v63  }
0x9: {  	s11 =	sshrl.u32 s10, $0x1;
	_ =	swait.ge [sflag:s4], $0x100  }
0xa: {  	s7 =	simm.s32 $0x1;
	s10 =	ssub.s32 s10, s11;
	[sflag:s4] =	ssyncset.done $0x0  }
0xb: {  	s6 =	simm.s32 $0x100;
	s31 =	smax.u32 s10, $0x1;
	[sflag:s4] =	ssyncadd.s32 $0xFFFFFF00  }
0xc: {  	[tilespmem:s6], [sflag:$0x1] =	stream.indirect.gather [hbm4b:s2+s6], $0x80, s3, s6, $0xb8;
	[tilespmem:$0x8100] =	vst v63  }
0xd: {  	p0 =	sne.s32 s31, $0x1;
	_ =	swait.ge [sflag:s7], $0x8000  }
.Ltmp0:
0xe: {  	s9 =	sshll.u32 s9, $0x4;
	[sflag:s7] =	ssyncset.done $0x0;
	(pc) =	sbr.rel @!p0 .LBB2_2-.Ltmp0, $4  }
0xf: {  	s8 =	sadd.s32 s8, s9;
	[sflag:s7] =	ssyncadd.s32 $0xFFFF8000  }
0x10: {  	[hbm4b:s8+s3] =	stream.linear.scatter [tilespmem:s6], [sflag:$0x2], $0x8000, $0x38;
	[tilespmem:$0x8100] =	vst v63  }
0x11: {  	_ =	swait.ge [sflag:s4], $0x8000  }
0x12: {  	s9 =	sadd.s32 $0xFFFFFFFF, s31;
	[sflag:s4] =	ssyncset.done $0x0  }
.LBB2_1:
0x13: {  	p0 =	sne.s32 s9, $0x1;
	s9 =	sadd.s32 $0xFFFFFFFF, s9;
	[sflag:s4] =	ssyncadd.s32 $0xFFFF8000  }
0x14: {  	[tilespmem:s3], [sflag:$0x2] =	stream.linear.gather [hbm4b:s5+s3], $0x100, $0x38;
	[tilespmem:$0x8100] =	vst v63  }
0x15: {  	_ =	swait.ge [sflag:s4], $0x100  }
0x16: {  	[sflag:s4] =	ssyncset.done $0x0  }
0x17: {  	[sflag:s4] =	ssyncadd.s32 $0xFFFFFF00  }
0x18: {  	[tilespmem:s6], [sflag:$0x1] =	stream.indirect.gather [hbm4b:s2+s6], $0x80, s3, s6, $0xb8;
	[tilespmem:$0x8100] =	vst v63  }
0x19: {  	_ =	swait.ge [sflag:s7], $0x8000  }
.Ltmp1:
0x1a: {  	[sflag:s7] =	ssyncset.done $0x0;
	(pc) =	sbr.rel @p0 .LBB2_1-.Ltmp1, $4  }
0x1b: {  	[sflag:s7] =	ssyncadd.s32 $0xFFFF8000  }
0x1c: {  	[hbm4b:s8+s3] =	stream.linear.scatter [tilespmem:s6], [sflag:$0x2], $0x8000, $0x38;
	[tilespmem:$0x8100] =	vst v63  }
0x1d: {  	_ =	swait.ge [sflag:s4], $0x8000  }
0x1e: {  	[sflag:s4] =	ssyncset.done $0x0  }
.LBB2_2:
0x1f: {  	[sflag:s4] =	ssyncadd.s32 $0xFFFF8000  }
0x20: {  	_ =	sfence.sel $0x180000  }
0x21: {  	[bflag:$0x0] =	sbarrier.arrive $0xFFFF  }
0x22: {  	p0 =	sne.s32 s0, $0x0;
	_ =	strace $0x90000047  }
0x23: {  	s0 =	sadd.s32 @!p0 $0x100000, s1;
	[bflag:$0x2] =	sbarrier.arrive $0xFFFF  }
0x24: {  	[sflag:s0] =	ssyncadd.tile.s32 @!p0 $0x1;
	_ =	shalt  }
.Lfunc_end2:
_tile_overlayer_lowered:
.L_overlay_start_2:
0x25: {  	(tag) =	ssettag $0x2  }
0x26: {  	s0 =	rddreg [dreg:$0x0];
	s2 =	stileid.u32  }
0x27: {  	s1 =	rddreg [dreg:$0x1];
	p0 =	sne.s32 s2, $0x0  }
0x28: {  	s3 =	rddreg [dreg:$0x2];
	[bflag:$0x3] =	sbarrier.arrive $0xFFFF;
	s2 =	simm.s32 @!p0 $0x1C02  }
0x29: {  	[timem:s3], [sflag:s2] =	dma.local @!p0 [hbm:s0], s1  }
0x2a: {  	s0 =	simm.s32 @!p0 $0x2  }
0x2b: {  	_ =	swait.ge @!p0 [sflag:s0], s1  }
0x2c: {  	s1 =	ssub.s32 @!p0 $0x0, s1;
	[sflag:s0] =	ssyncset.done @!p0 $0x0  }
0x2d: {  	[sflag:s0] =	ssyncadd.s32 @!p0 s1  }
0x2e: {  	[bflag:$0x3] =	sbarrier.arrive $0xFFFF  }
0x2f: {  	_ =	shalt  }

// kernel: kernel.9.cloned.1.call-start
scs
__scs_entry_jumppad:
0x0: {  	(pc) =	sbr.rel $0x88, $3  }
0x1: {  	(tag) =	ssettag $0x0;
	lr =	simm.s32 $0x1  }
0x2: {  	[smem:$0x3F98] =	sst lr;
	_ =	strace $0xD0000000  }
0x3: {  	_ = 	snop  }
0x4: {  	_ = 	snop  }
0x5: {  	_ = 	snop  }
0x6: {  	_ = 	snop  }
0x7: {  	_ = 	snop  }
__scs_overlays_trampoline_lowered:
0x8: {  	[smem:$0x3FA7] =	sst s0  }
0x9: {  	[smem:$0x3FA8] =	sst s1  }
0xa: {  	[smem:$0x3FA9] =	sst s2  }
0xb: {  	[smem:$0x3FAA] =	sst s3  }
0xc: {  	[smem:$0x3FAB] =	sst s4  }
0xd: {  	[smem:$0x3FAC] =	sst s5  }
0xe: {  	[smem:$0x3FAD] =	sst s6  }
0xf: {  	[smem:$0x3FAE] =	sst s7  }
0x10: {  	[smem:$0x3FAF] =	sst s8  }
0x11: {  	[smem:$0x3FB0] =	sst s9;
	s0 =	simm.s32 @!p0 $0x0  }
0x12: {  	s1 =	sld [smem:$0x3F96];
	s0 =	simm.s32 @p0 $0x1  }
0x13: {  	[smem:$0x3FB1] =	sst s0;
	s0 =	simm.s32 @!p1 $0x0  }
0x14: {  	s2 =	sld [smem:$0x3F95];
	s0 =	simm.s32 @p1 $0x1  }
0x15: {  	[smem:$0x3FB2] =	sst s0;
	s0 =	simm.s32 @!p2 $0x0  }
0x16: {  	s3 =	sld [smem:$0x3FDB];
	s0 =	simm.s32 @p2 $0x1  }
0x17: {  	s4 =	simm.s32 $0x1BF5;
	[smem:$0x3FB4] =	sst s0  }
0x18: {  	s0 =	sld [smem:$0x3F97];
	_ =	swait.ge [sflag:s4], $0x0  }
0x19: {  	s7 =	sld [smem:$0x3F98]  }
0x1a: {  	s8 =	sadd.s32 $0xFFFFE003, lr  }
0x1b: {  	s9 =	sadd.s32 $0xFFFFFEF7, lr;
	s5 =	simm.s32 $0xFFFFFFFF;
	p2 =	slt.u32 s8, $0xFFFFF086  }
0x1c: {  	p1 =	slt.u32 s9, $0xF7A;
	s5 =	simm.s32 @!p2 $0x0  }
0x1d: {  	s5 =	simm.s32 @p1 $0x1;
	p0 =	seq.s32 s7, s2  }
0x1e: {  	s7 =	smul.u32 @!p0 $0xF7A, s2;
	p2 =	seq.s32 @!p0 s5, $0x0  }
0x1f: {  	s9 =	smul.u32 $0xF7A, s1;
	s8 =	simm.s32 @!p0 $0x1BF5;
	p2 =	por !p2, p0  }
0x20: {  	[sflag:s8] =	ssyncset.s32 @!p0 $0xFFFFF086;
	s6 =	sadd.s32 @!p0 s3, s7;
	s7 =	simm.s32 @!p0 $0x108  }
0x21: {  	s3 =	sadd.s32 s3, s9;
	s6 =	sadd.s32 @!p0 $0x88, s6;
	s7 =	simm.s32 @p2 $0x1082  }
0x22: {  	[simem:s7], [sflag:s8] =	dma.local @!p0 [hbm:s6], $0xF7A  }
0x23: {  	s9 =	sor.u32 $0xD0000000, s2;
	s6 =	simm.s32 $0x108;
	_ =	swait.ge @!p0 [sflag:s8], $0x0  }
0x24: {  	s3 =	sadd.s32 $0x88, s3;
	s6 =	simm.s32 @!p1 $0x1082;
	[sflag:s4] =	ssyncset.s32 $0xFFFFF086  }
0x25: {  	[simem:s6], [sflag:s4] =	dma.local [hbm:s3], $0xF7A  }
0x26: {  	[smem:$0x3F98] =	sst s1;
	(tag) =	ssettag s2;
	_ =	strace s9  }
0x27: {  	s1 =	sld [smem:$0x3FA8]  }
0x28: {  	s2 =	sld [smem:$0x3FA9]  }
0x29: {  	s4 =	sld [smem:$0x3FAB]  }
0x2a: {  	p0 =	seq.s32 s5, $0x0;
	s5 =	sld [smem:$0x3FAC]  }
0x2b: {  	s6 =	sld [smem:$0x3FAD]  }
0x2c: {  	s7 =	sld [smem:$0x3FAE]  }
0x2d: {  	s3 =	simm.s32 $0x108;
	s8 =	sld [smem:$0x3FAF]  }
0x2e: {  	s3 =	simm.s32 @!p0 $0x1082;
	s9 =	sld [smem:$0x3FB0]  }
0x2f: {  	lr =	sadd.s32 s0, s3;
	s0 =	sld [smem:$0x3FA7]  }
0x30: {  	s3 =	sld [smem:$0x3FAA]  }
0x31: {  	[smem:$0x3FB3] =	sst s10  }
0x32: {  	s10 =	sld [smem:$0x3FB1];
	_ =	sdelay $0x3  }
0x33: {  	p0 =	seq.s32 s10, $0x1;
	s10 =	sld [smem:$0x3FB3];
	_ =	sdelay $0x3  }
0x34: {  	[smem:$0x3FB3] =	sst s10  }
0x35: {  	s10 =	sld [smem:$0x3FB2];
	_ =	sdelay $0x3  }
0x36: {  	p1 =	seq.s32 s10, $0x1;
	s10 =	sld [smem:$0x3FB3];
	_ =	sdelay $0x3  }
0x37: {  	[smem:$0x3FB3] =	sst s10  }
0x38: {  	s10 =	sld [smem:$0x3FB4]  }
0x39: {  	_ = 	snop;
	(pc) =	sbr.ind lr, $3  }
0x3a: {  	_ = 	snop  }
0x3b: {  	_ = 	snop  }
0x3c: {  	p2 =	seq.s32 s10, $0x1;
	s10 =	sld [smem:$0x3FB3]  }
0x3d: {  	_ =	shalt  }
0x3e: {  	_ =	shalt  }
0x3f: {  	_ =	shalt  }
0x40: {  	_ =	shalt  }
0x41: {  	_ =	shalt  }
0x42: {  	_ =	shalt  }
0x43: {  	_ =	shalt  }
0x44: {  	_ =	shalt  }
0x45: {  	_ =	shalt  }
0x46: {  	_ =	shalt  }
0x47: {  	_ =	shalt  }
0x48: {  	_ =	shalt  }
0x49: {  	_ =	shalt  }
0x4a: {  	_ =	shalt  }
0x4b: {  	_ =	shalt  }
0x4c: {  	_ =	shalt  }
0x4d: {  	_ =	shalt  }
0x4e: {  	_ =	shalt  }
0x4f: {  	_ =	shalt  }
0x50: {  	_ =	shalt  }
0x51: {  	_ =	shalt  }
0x52: {  	_ =	shalt  }
0x53: {  	_ =	shalt  }
0x54: {  	_ =	shalt  }
0x55: {  	_ =	shalt  }
0x56: {  	_ =	shalt  }
0x57: {  	_ =	shalt  }
0x58: {  	_ =	shalt  }
0x59: {  	_ =	shalt  }
0x5a: {  	_ =	shalt  }
0x5b: {  	_ =	shalt  }
0x5c: {  	_ =	shalt  }
0x5d: {  	_ =	shalt  }
0x5e: {  	_ =	shalt  }
0x5f: {  	_ =	shalt  }
0x60: {  	_ =	shalt  }
0x61: {  	_ =	shalt  }
0x62: {  	_ =	shalt  }
0x63: {  	_ =	shalt  }
0x64: {  	_ =	shalt  }
0x65: {  	_ =	shalt  }
0x66: {  	_ =	shalt  }
0x67: {  	_ =	shalt  }
0x68: {  	_ =	shalt  }
0x69: {  	_ =	shalt  }
0x6a: {  	_ =	shalt  }
0x6b: {  	_ =	shalt  }
0x6c: {  	_ =	shalt  }
0x6d: {  	_ =	shalt  }
0x6e: {  	_ =	shalt  }
0x6f: {  	_ =	shalt  }
0x70: {  	_ =	shalt  }
0x71: {  	_ =	shalt  }
0x72: {  	_ =	shalt  }
0x73: {  	_ =	shalt  }
0x74: {  	_ =	shalt  }
0x75: {  	_ =	shalt  }
0x76: {  	_ =	shalt  }
0x77: {  	_ =	shalt  }
0x78: {  	_ =	shalt  }
0x79: {  	_ =	shalt  }
0x7a: {  	_ =	shalt  }
0x7b: {  	_ =	shalt  }
0x7c: {  	_ =	shalt  }
0x7d: {  	_ =	shalt  }
0x7e: {  	_ =	shalt  }
0x7f: {  	_ =	shalt  }
0x80: {  	_ =	shalt  }
0x81: {  	_ =	shalt  }
0x82: {  	_ =	shalt  }
0x83: {  	_ =	shalt  }
0x84: {  	_ =	shalt  }
0x85: {  	_ =	shalt  }
0x86: {  	_ =	shalt  }
0x87: {  	_ =	shalt  }
.Lfunc_end0:
.L_simem_size_0:
called_computation.1_lowered:
.L_overlay_start_0:
0x88: {  	s2 =	sld [smem:$0x3FD9]  }
0x89: {  	s3 =	sld [smem:$0x3FFE];
	_ =	sdelay $0x1  }
0x8a: {  	s1 =	srdreg.scid  }
0x8b: {  	s0 =	sand.u32 $0x1, s1  }
0x8c: {  	s17 =	sshll.u32 s0, $0xA;
	s2 =	sadd.s32 s3, s2  }
0x8d: {  	s2 =	sadd.s32 s2, s17  }
0x8e: {  	[smem:$0x3FBF] =	sst s2  }
0x8f: {  	_ = 	snop  }
0x90: {  	s18 =	sld [smem:$0x3FC6];
	(tm) =	ssettm $0x1  }
0x91: {  	s19 =	sld [smem:$0x3FFB];
	_ =	sdelay $0x3  }
0x92: {  	_ =	strace s19  }
0x93: {  	s2 =	sld [smem:$0x3FFC];
	_ =	sdelay $0x3  }
0x94: {  	_ =	strace s2  }
0x95: {  	s2 =	sld [smem:$0x3FFD];
	_ =	sdelay $0x3  }
0x96: {  	_ =	strace s2  }
0x97: {  	_ =	strace $0x8FFFFFFF  }
0x98: {  	s20 =	sld [smem:$0x3FDB];
	_ =	sdelay $0x1  }
0x99: {  	s4 =	simm.s32 $_scs_section_size  }
0x9a: {  	s5 =	simm.s32 $_size__tile_overlayer_lowered;
	s6 =	simm.s32 $_tile_overlayer_lowered  }
0x9b: {  	s7 =	simm.s32 $0x1BFF;
	s21 =	sshll.u32 s6, $0x1;
	s4 =	sadd.s32 s4, s20  }
0x9c: {  	s22 =	simm.s32 $0x0;
	s5 =	sshll.u32 s5, $0x1;
	s6 =	sadd.s32 s21, s4  }
0x9d: {  	[timem:s22], [sflag:s7] =	dma.local [hbm:s6], s5  }
0x9e: {  	_ =	swait.ge [sflag:s7], s5  }
0x9f: {  	s5 =	ssub.s32 $0x0, s5;
	[sflag:s7] =	ssyncset.done $0x0  }
0xa0: {  	[sflag:s7] =	ssyncadd.s32 s5;
	_ =	sdelay $0x1  }
0xa1: {  	s23 =	simm.s32 $0x1B8B  }
0xa2: {  	_ =	swait.ge [sflag:s23], $0x1  }
0xa3: {  	[sflag:s23] =	ssyncset.done $0x0  }
0xa4: {  	[sflag:s23] =	ssyncadd.s32 $0xFFFFFFFF  }
0xa5: {  	s5 =	sld [smem:$0x0]  }
0xa6: {  	s6 =	sand.u32 $0xFFFFFFFE, s1  }
0xa7: {  	p0 =	sne.s32 s1, s6  }
0xa8: {  	s6 =	sshll.u32 @p0 s6, $0xE  }
0xa9: {  	s6 =	sadd.s32 @p0 $0x11B8D, s6;
	s7 =	sshll.u32 @p0 s5, $0x11  }
0xaa: {  	s6 =	sor.u32 @p0 s7, s6  }
0xab: {  	[sflag:s6] =	ssyncadd.remote.s32 @p0 $0x1;
	_ =	sdelay $0x1  }
0xac: {  	s6 =	simm.s32 @p0 $0x1B8D  }
0xad: {  	_ =	swait.eq @p0 [sflag:s6], $0x1  }
0xae: {  	[sflag:s6] =	ssyncadd.s32 @p0 $0xFFFFFFFF  }
0xaf: {  	s7 =	sshll.u32 @!p0 s1, $0xE  }
0xb0: {  	s7 =	sor.u32 @!p0 $0x4000, s7;
	s6 =	simm.s32 @!p0 $0x1B8D  }
0xb1: {  	s5 =	sshll.u32 @!p0 s5, $0x11;
	s7 =	sadd.s32 @!p0 $0x11B8D, s7;
	_ =	swait.eq @!p0 [sflag:s6], $0x1  }
0xb2: {  	s5 =	sor.u32 @!p0 s5, s7;
	[sflag:s6] =	ssyncadd.s32 @!p0 $0xFFFFFFFF  }
0xb3: {  	s25 =	simm.s32 $0x1B8E;
	s24 =	sld [smem:$0x3FFE];
	[sflag:s5] =	ssyncadd.remote.s32 @!p0 $0x1  }
0xb4: {  	s26 =	simm.s32 $execute0_lowered;
	[smem:$0x3FD2] =	sst s25  }
0xb5: {  	s6 =	sshll.u32 s26, $0x1;
	_ =	strace $0x80000049;
	[dreg:$0x1] =	wrdreg $0xFFFFFFFF  }
0xb6: {  	s28 =	simm.s32 $_size_execute0_lowered;
	s4 =	sadd.s32 s4, s6;
	[dreg:$0x0] =	wrdreg $0x0  }
0xb7: {  	s6 =	sshll.u32 s28, $0x1;
	[dreg:$0x2] =	wrdreg s4  }
0xb8: {  	[dreg:$0x3] =	wrdreg s6  }
0xb9: {  	[dreg:$0x4] =	wrdreg $0xC0  }
0xba: {  	_ =	task [dreg:s22], $0x5FFFF  }
0xbb: {  	[dreg:$0x1] =	wrdreg $0xFFFFFFFF  }
0xbc: {  	[dreg:$0x0] =	wrdreg $0x60  }
0xbd: {  	[dreg:$0x2] =	wrdreg s24  }
0xbe: {  	[dreg:$0x3] =	wrdreg s18  }
0xbf: {  	[dreg:$0x4] =	wrdreg $0xA  }
0xc0: {  	_ =	task.clear_ibuf [dreg:s22], $0x5FFFF;
	_ =	strace $0x90000049  }
0xc1: {  	s29 =	simm.s32 $0xA;
	_ =	strace $0x8000004B  }
0xc2: {  	_ =	swait.ge [sflag:s29], $0x1  }
0xc3: {  	[sflag:s29] =	ssyncadd.s32 $0xFFFFFFFF  }
0xc4: {  	_ =	strace $0x9000004B  }
0xc5: {  	_ =	sfence  }
0xc6: {  	s30 =	sld [smem:$0x0];
	_ =	sdelay $0x2  }
0xc7: {  	s31 =	sshll.u32 s1, $0xD;
	s1 =	sshrl.u32 s1, $0x2  }
0xc8: {  	s4 =	sand.u32 $0x4000, s31;
	s1 =	sadd.s32 s1, s30  }
0xc9: {  	s0 =	sor.u32 s4, s0;
	s1 =	sshll.u32 s1, $0x11  }
0xca: {  	s0 =	sor.u32 s1, s0  }
0xcb: {  	s0 =	sadd.s32 $0x8F2B, s0  }
0xcc: {  	[sflag:s0] =	ssyncadd.remote.s32 $0x1  }
0xcd: {  	_ =	sfence.sel $0xFFFF  }
0xce: {  	[dreg:$0x0] =	wrdreg $0xFFFFFFFF;
	(pc) =	sbr.abs _section_cstart, $3  }
0xcf: {  	[dreg:$0x1] =	wrdreg $0xFFFFFFFF  }
0xd0: {  	_ =	task.clear_ibuf [dreg:s22], $0x2FFFF;
	_ =	strace $0x9FFFFFFF  }
0xd1: {  	(tm) =	ssettm $0x7FFFFFFF  }
tec
execute0_lowered:
.L_overlay_start_1:
0x0: {  	(tag) =	ssettag $0x1  }
0x1: {  	s1 =	srdreg.scid;
	s0 =	stileid.u32  }
0x2: {  	s11 =	sand.u32 $0x1, s1;
	s26 =	sshll.u32 s0, $0x1  }
0x3: {  	s9 =	rddreg [dreg:$0x0];
	s10 =	sor.u32 s11, s26  }
0x4: {  	s2 =	rddreg [dreg:$0x1];
	s12 =	smul.u32 $0x540, s10  }
0x5: {  	s3 =	simm.s32 $0x0;
	s1 =	rddreg [dreg:$0x2]  }
0x6: {  	[smem:$0x7FF] =	sst s3;
	s13 =	sadd.s32 $0x1E00, s9;
	s4 =	sshrl.u32 s12, $0x3  }
0x7: {  	_ =	strace $0x8000004A;
	s5 =	sadd.s32 s13, s4;
	s4 =	simm.s32 $0x2  }
0x8: {  	[tilespmem:s3], [sflag:$0x2] =	stream.linear.gather [hbm4b:s5+s3], $0x2A0, $0x38;
	[tilespmem:$0x15300] =	vst v63  }
0x9: {  	_ =	swait.ge [sflag:s4], $0x2A0  }
0xa: {  	s6 =	simm.s32 $0x2A0;
	[sflag:s4] =	ssyncset.done $0x0  }
0xb: {  	s7 =	simm.s32 $0x300;
	s8 =	simm.s32 $0x1;
	[sflag:s4] =	ssyncadd.s32 $0xFFFFFD60  }
0xc: {  	[tilespmem:s7], [sflag:$0x1] =	stream.indirect.gather [hbm4b:s2+s6], $0x80, s3, s6, $0xb8;
	[tilespmem:$0x15300] =	vst v63  }
0xd: {  	s10 =	smul.u32 $0x5400, s10;
	_ =	swait.ge [sflag:s8], $0x15000  }
0xe: {  	s14 =	sadd.s32 $0x3400, s9;
	[sflag:s8] =	ssyncset.done $0x0  }
0xf: {  	s9 =	sadd.s32 s14, s10;
	[sflag:s8] =	ssyncadd.s32 $0xFFFEB000  }
0x10: {  	[hbm4b:s9+s3] =	stream.linear.scatter [tilespmem:s7], [sflag:$0x2], $0x15000, $0x38;
	[tilespmem:$0x15300] =	vst v63  }
0x11: {  	s12 =	sadd.s32 $0x2A0, s12;
	_ =	swait.ge [sflag:s4], $0x15000  }
0x12: {  	s28 =	sshrl.u32 s12, $0x3;
	[sflag:s4] =	ssyncset.done $0x0  }
0x13: {  	s11 =	ssub.s32 $0x2, s11;
	s10 =	sadd.s32 s13, s28;
	[sflag:s4] =	ssyncadd.s32 $0xFFFEB000  }
0x14: {  	[tilespmem:s3], [sflag:$0x2] =	stream.linear.gather [hbm4b:s10+s3], $0x2A0, $0x38;
	[tilespmem:$0x15300] =	vst v63  }
0x15: {  	s29 =	sshrl.u32 s11, $0x1;
	_ =	swait.ge [sflag:s4], $0x2A0  }
0x16: {  	s13 =	ssub.s32 s11, s29;
	[sflag:s4] =	ssyncset.done $0x0  }
0x17: {  	s31 =	smax.u32 s13, $0x1;
	[sflag:s4] =	ssyncadd.s32 $0xFFFFFD60  }
0x18: {  	[tilespmem:s7], [sflag:$0x1] =	stream.indirect.gather [hbm4b:s2+s6], $0x80, s3, s6, $0xb8;
	[tilespmem:$0x15300] =	vst v63  }
0x19: {  	p0 =	sne.s32 s31, $0x1;
	_ =	swait.ge [sflag:s8], $0x15000  }
.Ltmp0:
0x1a: {  	s30 =	sshll.u32 s12, $0x4;
	[sflag:s8] =	ssyncset.done $0x0;
	(pc) =	sbr.rel @!p0 .LBB2_2-.Ltmp0, $4  }
0x1b: {  	s11 =	sadd.s32 s14, s30;
	[sflag:s8] =	ssyncadd.s32 $0xFFFEB000  }
0x1c: {  	[hbm4b:s11+s3] =	stream.linear.scatter [tilespmem:s7], [sflag:$0x2], $0x15000, $0x38;
	[tilespmem:$0x15300] =	vst v63  }
0x1d: {  	_ =	swait.ge [sflag:s4], $0x15000  }
0x1e: {  	s12 =	sadd.s32 $0xFFFFFFFF, s31;
	[sflag:s4] =	ssyncset.done $0x0  }
.LBB2_1:
0x1f: {  	p0 =	sne.s32 s12, $0x1;
	s12 =	sadd.s32 $0xFFFFFFFF, s12;
	[sflag:s4] =	ssyncadd.s32 $0xFFFEB000  }
0x20: {  	[tilespmem:s3], [sflag:$0x2] =	stream.linear.gather [hbm4b:s5+s3], $0x2A0, $0x38;
	[tilespmem:$0x15300] =	vst v63  }
0x21: {  	_ =	swait.ge [sflag:s4], $0x2A0  }
0x22: {  	[sflag:s4] =	ssyncset.done $0x0  }
0x23: {  	[sflag:s4] =	ssyncadd.s32 $0xFFFFFD60  }
0x24: {  	[tilespmem:s7], [sflag:$0x1] =	stream.indirect.gather [hbm4b:s2+s6], $0x80, s3, s6, $0xb8;
	[tilespmem:$0x15300] =	vst v63  }
0x25: {  	_ =	swait.ge [sflag:s8], $0x15000  }
0x26: {  	[sflag:s8] =	ssyncset.done $0x0  }
0x27: {  	[sflag:s8] =	ssyncadd.s32 $0xFFFEB000  }
0x28: {  	[hbm4b:s9+s3] =	stream.linear.scatter [tilespmem:s7], [sflag:$0x2], $0x15000, $0x38;
	[tilespmem:$0x15300] =	vst v63  }
0x29: {  	_ =	swait.ge [sflag:s4], $0x15000  }
0x2a: {  	[sflag:s4] =	ssyncset.done $0x0  }
0x2b: {  	[sflag:s4] =	ssyncadd.s32 $0xFFFEB000  }
0x2c: {  	[tilespmem:s3], [sflag:$0x2] =	stream.linear.gather [hbm4b:s10+s3], $0x2A0, $0x38;
	[tilespmem:$0x15300] =	vst v63  }
0x2d: {  	_ =	swait.ge [sflag:s4], $0x2A0  }
0x2e: {  	[sflag:s4] =	ssyncset.done $0x0  }
0x2f: {  	[sflag:s4] =	ssyncadd.s32 $0xFFFFFD60  }
0x30: {  	[tilespmem:s7], [sflag:$0x1] =	stream.indirect.gather [hbm4b:s2+s6], $0x80, s3, s6, $0xb8;
	[tilespmem:$0x15300] =	vst v63  }
0x31: {  	_ =	swait.ge [sflag:s8], $0x15000  }
.Ltmp1:
0x32: {  	[sflag:s8] =	ssyncset.done $0x0;
	(pc) =	sbr.rel @p0 .LBB2_1-.Ltmp1, $4  }
0x33: {  	[sflag:s8] =	ssyncadd.s32 $0xFFFEB000  }
0x34: {  	[hbm4b:s11+s3] =	stream.linear.scatter [tilespmem:s7], [sflag:$0x2], $0x15000, $0x38;
	[tilespmem:$0x15300] =	vst v63  }
0x35: {  	_ =	swait.ge [sflag:s4], $0x15000  }
0x36: {  	[sflag:s4] =	ssyncset.done $0x0  }
.LBB2_2:
0x37: {  	[sflag:s4] =	ssyncadd.s32 $0xFFFEB000  }
0x38: {  	_ =	sfence.sel $0x180000  }
0x39: {  	[bflag:$0x0] =	sbarrier.arrive $0xFFFF  }
0x3a: {  	p0 =	sne.s32 s0, $0x0;
	_ =	strace $0x9000004A  }
0x3b: {  	s0 =	sadd.s32 @!p0 $0x100000, s1;
	[bflag:$0x2] =	sbarrier.arrive $0xFFFF  }
0x3c: {  	[sflag:s0] =	ssyncadd.tile.s32 @!p0 $0x1;
	_ =	shalt  }
.Lfunc_end2:
_tile_overlayer_lowered:
.L_overlay_start_2:
0x3d: {  	(tag) =	ssettag $0x2  }
0x3e: {  	s0 =	rddreg [dreg:$0x0];
	s2 =	stileid.u32  }
0x3f: {  	s1 =	rddreg [dreg:$0x1];
	p0 =	sne.s32 s2, $0x0  }
0x40: {  	s3 =	rddreg [dreg:$0x2];
	[bflag:$0x3] =	sbarrier.arrive $0xFFFF;
	s2 =	simm.s32 @!p0 $0x1C02  }
0x41: {  	[timem:s3], [sflag:s2] =	dma.local @!p0 [hbm:s0], s1  }
0x42: {  	s0 =	simm.s32 @!p0 $0x2  }
0x43: {  	_ =	swait.ge @!p0 [sflag:s0], s1  }
0x44: {  	s1 =	ssub.s32 @!p0 $0x0, s1;
	[sflag:s0] =	ssyncset.done @!p0 $0x0  }
0x45: {  	[sflag:s0] =	ssyncadd.s32 @!p0 s1  }
0x46: {  	[bflag:$0x3] =	sbarrier.arrive $0xFFFF  }
0x47: {  	_ =	shalt  }

</sc_bundles>
